<compile_context>
chip_gen: v7x
topology: tpu7x:2x2x1
jax: 0.10.2.dev20260603
libtpu: 0.0.44.dev20260713+nightly
codegen_flags: <defaults>
</compile_context>

<pallas_src>
import functools

import jax
import jax.numpy as jnp
from jax import lax
from jax.experimental import pallas as pl
from jax.experimental.pallas import tpu as pltpu
from jax.experimental.pallas import tpu_sc as plsc

B = 8
C = 96
H = 384
NPIX = 384 * 384
K = int(NPIX * 0.1)
NB = 32768
BH = 8
NSPLIT = 4
NSC = 3
HPART = H // NSPLIT
PPIX = NPIX // NSPLIT
NCORES = 2
NSUB = 16
TPIX = PPIX // 4
CHUNK = 1024
GRP = 128
SLICE16 = (4 * NB) // NSUB


def _score_body(x_ref, w_ref, b_ref, s_ref):
    xb = x_ref[...]
    s = jnp.sum(xb * w_ref[...], axis=1) + b_ref[0, 0]
    s_ref[...] = jnp.abs(s).reshape(B, BH * H)


def _scores_part(x, w4, bias, part):
    nblk = HPART // BH
    return pl.pallas_call(
        _score_body,
        grid=(nblk,),
        in_specs=[
            pl.BlockSpec((B, C, BH, H), lambda j: (0, 0, part * nblk + j, 0)),
            pl.BlockSpec((1, C, 1, 1), lambda j: (0, 0, 0, 0)),
            pl.BlockSpec((1, 1), lambda j: (0, 0)),
        ],
        out_specs=pl.BlockSpec((B, BH * H), lambda j: (0, j)),
        out_shape=jax.ShapeDtypeStruct((B, PPIX), jnp.float32),
    )(x, w4, bias)


def _hist_body(scores_hbm, cnt_hbm, chunk_v, idx_v, ones_v, stage_v, hist_sh):
    cid = lax.axis_index("c")
    sid = lax.axis_index("s")
    lb = sid // 4
    q = sid % 4
    batch = cid * 4 + lb

    zvec = jnp.zeros((16,), jnp.float32)

    def zero_stage(i, carry):
        stage_v[pl.ds(i * 16, 16)] = zvec
        return carry

    lax.fori_loop(0, CHUNK // 16, zero_stage, 0)

    def zero_hist(j, carry):
        pltpu.sync_copy(stage_v, hist_sh.at[pl.ds(sid * SLICE16 + j * CHUNK, CHUNK)])
        return carry

    lax.fori_loop(0, SLICE16 // CHUNK, zero_hist, 0)

    ovec = jnp.ones((16,), jnp.float32)
    for u in range(GRP // 16):
        ones_v[pl.ds(u * 16, 16)] = ovec

    plsc.subcore_barrier()

    base = q * TPIX
    off = lb * NB

    def chunk_loop(ci, carry):
        pltpu.sync_copy(scores_hbm.at[batch, pl.ds(base + ci * CHUNK, CHUNK)],
                        chunk_v)

        def grp_loop(g, c2):
            for u in range(GRP // 16):
                v = chunk_v[pl.ds(g * GRP + u * 16, 16)]
                bits = lax.bitcast_convert_type(v, jnp.int32)
                idx_v[pl.ds(u * 16, 16)] = lax.shift_right_logical(bits, 16) + off
            pltpu.sync_copy(ones_v, hist_sh.at[idx_v], add=True)
            return c2

        lax.fori_loop(0, CHUNK // GRP, grp_loop, 0)
        return carry

    lax.fori_loop(0, TPIX // CHUNK, chunk_loop, 0)

    plsc.subcore_barrier()

    pltpu.sync_copy(hist_sh.at[pl.ds(sid * SLICE16, SLICE16)],
                    cnt_hbm.at[batch, pl.ds(q * SLICE16, SLICE16)])


@functools.cache
def _hist_kernel():
    return functools.partial(
        pl.kernel,
        out_type=jax.ShapeDtypeStruct((B, NB), jnp.float32),
        mesh=plsc.VectorSubcoreMesh(core_axis_name="c", subcore_axis_name="s"),
        scratch_types=[
            pltpu.VMEM((CHUNK,), jnp.float32),
            pltpu.VMEM((GRP,), jnp.int32),
            pltpu.VMEM((GRP,), jnp.float32),
            pltpu.VMEM((CHUNK,), jnp.float32),
            pltpu.VMEM_SHARED((4 * NB,), jnp.float32),
        ],
    )(_hist_body)


def _select_body(*refs):
    cnt_refs = refs[:NSC]
    s_refs = refs[NSC:NSC + NSPLIT]
    o_ref = refs[NSC + NSPLIT]
    cnt = cnt_refs[0][...]
    for r in cnt_refs[1:]:
        cnt = cnt + r[...]
    bin_iota = lax.broadcasted_iota(jnp.int32, (B, NB), 1)
    kk = jnp.float32(K)

    tail_bins = [
        lax.shift_right_logical(
            lax.bitcast_convert_type(r[...], jnp.int32), 16)
        for r in s_refs[NSC:]
    ]

    def sfx_above(bidx):
        m = bin_iota > bidx
        acc = jnp.sum(jnp.where(m, cnt, 0.0), axis=1, keepdims=True)
        for tb in tail_bins:
            acc = acc + jnp.sum(jnp.where(tb > bidx, 1.0, 0.0),
                                axis=1, keepdims=True)
        return acc

    def step(_, lohi):
        lo, hi = lohi
        mid = (lo + hi) >> 1
        pred = sfx_above(mid) < kk
        return (jnp.where(pred, lo, mid + 1), jnp.where(pred, mid, hi))

    lo0 = jnp.zeros((B, 1), jnp.int32)
    hi0 = jnp.full((B, 1), NB - 1, jnp.int32)
    _, bstar = lax.fori_loop(0, 15, step, (lo0, hi0))
    c_above = sfx_above(bstar)

    s_above = jnp.zeros((B, 1), jnp.float32)
    bin_sum = jnp.zeros((B, 1), jnp.float32)
    bin_cnt = jnp.zeros((B, 1), jnp.float32)
    for r in s_refs:
        s = r[...]
        sbin = lax.shift_right_logical(
            lax.bitcast_convert_type(s, jnp.int32), 16)
        m_above = sbin > bstar
        m_bin = sbin == bstar
        s_above = s_above + jnp.sum(
            jnp.where(m_above, s, 0.0), axis=1, keepdims=True)
        bin_sum = bin_sum + jnp.sum(
            jnp.where(m_bin, s, 0.0), axis=1, keepdims=True)
        bin_cnt = bin_cnt + jnp.sum(
            jnp.where(m_bin, 1.0, 0.0), axis=1, keepdims=True)
    t_est = bin_sum / jnp.maximum(bin_cnt, 1.0)
    o_ref[...] = (s_above + (kk - c_above) * t_est) / kk


def _select(cnts, score_parts):
    return pl.pallas_call(
        _select_body,
        in_specs=(
            [pl.BlockSpec((B, NB), lambda: (0, 0)) for _ in range(NSC)]
            + [pl.BlockSpec((B, PPIX), lambda: (0, 0)) for _ in range(NSPLIT)]
        ),
        out_specs=pl.BlockSpec((B, 1), lambda: (0, 0)),
        out_shape=jax.ShapeDtypeStruct((B, 1), jnp.float32),
    )(*cnts, *score_parts)


def kernel(x, W, b):
    w4 = W.reshape(1, C, 1, 1)
    bias = b.reshape(1, 1)
    cnts, parts = [], []
    for p in range(NSPLIT):
        s2 = _scores_part(x, w4, bias, p)
        parts.append(s2)
        if p < NSC:
            cnts.append(_hist_kernel()(s2))
    return _select(cnts, parts)

# --- scband reference (transcript-rebuilt; emitter-appended) ---
"""Pipeline reference for scband-plain-head-180388627315 (READ-ONLY COPY).

The authoritative reference and input builder live on the scoring server;
editing this copy changes nothing except your own understanding.
"""

import jax, jax.numpy as jnp
import numpy as np

TOPK_RATE = 0.1

def setup_inputs(seed: int = 0) -> dict:
    key = jax.random.key(seed)
    k1, k2, k3 = jax.random.split(key, 3)
    x = jax.random.normal(k1, (8, 96, 384, 384), dtype=jnp.float32)
    # 1x1 conv params: weight [out=1, in=96], bias [1]
    W = jax.random.normal(k2, (1, 96), dtype=jnp.float32) * (1.0 / np.sqrt(96.0))
    b = jax.random.normal(k3, (1,), dtype=jnp.float32) * 0.01
    return {"x": x, "W": W, "b": b}

def reference(x, W, b):
    B = x.shape[0]
    # 1x1 conv == channel contraction
    s = jnp.einsum('bchw,oc->bohw', x, W) + b[None, :, None, None]
    s = s.reshape(B, -1)
    topk = max(int(s.shape[1] * TOPK_RATE), 1)
    vals = jax.lax.top_k(jnp.abs(s), topk)[0]
    out = jnp.mean(vals, axis=1).reshape(-1, 1)
    return out

if __name__ == "__main__":
    import jax
    _d = setup_inputs()
    print(jax.jit(kernel)(*tuple(_d.values())))

</pallas_src>

<mosaic_0001>
#map = affine_map<(d0, d1) -> (0, 0)>
module attributes {stable_mosaic.version = 14 : i64} {
  func.func @_hist_body(%arg0: i32, %arg1: i32, %arg2: memref<8x36864xf32, #tpu.memory_space<hbm>>, %arg3: memref<8x32768xf32, #tpu.memory_space<hbm>>, %arg4: memref<1024xf32, #tpu.memory_space<vmem>>, %arg5: memref<128xi32, #tpu.memory_space<vmem>>, %arg6: memref<128xf32, #tpu.memory_space<vmem>>, %arg7: memref<1024xf32, #tpu.memory_space<vmem>>, %arg8: memref<131072xf32, #tpu.memory_space<vmem_shared>>) attributes {dimension_semantics = [#tpu.dimension_semantics<core_parallel>, #tpu.dimension_semantics<subcore_parallel>], iteration_bounds = array<i64: 2, 16>, scalar_prefetch = 0 : i64, scratch_operands = 5 : i64, tpu.core_type = #tpu.core_type<sc_vector_subcore>, window_params = [{transform_indices = #map}, {transform_indices = #map}]} {
    %jit3A = arith.constant 4 : i32
    %div3A = arith.divsi %arg1, %jit3A : i32
    %sign3A = arith.constant 0 : i32
    %sign3A_0 = arith.cmpi sgt, %arg1, %sign3A : i32
    %sign3A_1 = arith.extui %sign3A_0 : i1 to i32
    %sign3A_2 = arith.constant 0 : i32
    %sign3A_3 = arith.cmpi slt, %arg1, %sign3A_2 : i32
    %sign3A_4 = arith.extui %sign3A_3 : i1 to i32
    %sign3A_5 = arith.subi %sign3A_1, %sign3A_4 : i32
    %sign3A_6 = arith.constant 0 : i32
    %sign3A_7 = arith.cmpi sgt, %jit3A, %sign3A_6 : i32
    %sign3A_8 = arith.extui %sign3A_7 : i1 to i32
    %sign3A_9 = arith.constant 0 : i32
    %sign3A_10 = arith.cmpi slt, %jit3A, %sign3A_9 : i32
    %sign3A_11 = arith.extui %sign3A_10 : i1 to i32
    %sign3A_12 = arith.subi %sign3A_8, %sign3A_11 : i32
    %ne3A = arith.cmpi ne, %sign3A_5, %sign3A_12 : i32
    %rem3A = arith.remsi %arg1, %jit3A : i32
    %ne3A_13 = arith.constant 0 : i32
    %ne3A_14 = arith.cmpi ne, %rem3A, %ne3A_13 : i32
    %and3A = arith.andi %ne3A, %ne3A_14 : i1
    %sub3A = arith.constant 1 : i32
    %sub3A_15 = arith.subi %div3A, %sub3A : i32
    %select_n3A = arith.select %and3A, %sub3A_15, %div3A : i32
    %jit3A_16 = arith.constant 4 : i32
    %eq3A = arith.constant 0 : i32
    %eq3A_17 = arith.cmpi eq, %jit3A_16, %eq3A : i32
    %jit3A_18 = arith.constant 1 : i32
    %select_n3A_19 = arith.select %eq3A_17, %jit3A_18, %jit3A_16 : i32
    %rem3A_20 = arith.remsi %arg1, %select_n3A_19 : i32
    %ne3A_21 = arith.constant 0 : i32
    %ne3A_22 = arith.cmpi ne, %rem3A_20, %ne3A_21 : i32
    %lt3A = arith.constant 0 : i32
    %lt3A_23 = arith.cmpi slt, %rem3A_20, %lt3A : i32
    %lt3A_24 = arith.constant 0 : i32
    %lt3A_25 = arith.cmpi slt, %select_n3A_19, %lt3A_24 : i32
    %ne3A_26 = arith.xori %lt3A_23, %lt3A_25 : i1
    %and3A_27 = arith.andi %ne3A_26, %ne3A_22 : i1
    %add3A = arith.addi %rem3A_20, %select_n3A_19 : i32
    %select_n3A_28 = arith.select %and3A_27, %add3A, %rem3A_20 : i32
    %mul3A = arith.constant 4 : i32
    %mul3A_29 = arith.muli %arg0, %mul3A : i32
    %add3A_30 = arith.addi %mul3A_29, %select_n3A : i32
    %broadcast_in_dim3A = arith.constant 0.000000e+00 : f32
    %broadcast_in_dim3A_31 = vector.broadcast %broadcast_in_dim3A : f32 to vector<16xf32>
    %scan3A = arith.constant 0 : i32
    %scan3A_32 = arith.constant 0 : i32
    %scan3A_33 = arith.constant 64 : i32
    %scan3A_34 = arith.addi %scan3A_32, %scan3A_33 : i32
    %scan3A_35 = arith.constant 1 : i32
    scf.for %scan3A_91 = %scan3A_32 to %scan3A_34 step %scan3A_35  : i32 {
      %mul3A_92 = arith.constant 16 : i32
      %mul3A_93 = arith.muli %scan3A_91, %mul3A_92 : i32
      %swap3A_94 = arith.index_cast %mul3A_93 : i32 to index
      %swap3A_95 = tpu.vector_load %arg7[%swap3A_94] {strides = array<i32>} : memref<1024xf32, #tpu.memory_space<vmem>>, vector<16xf32>,
      %swap3A_96 = vector.shape_cast %swap3A_95 : vector<16xf32> to vector<16xf32>
      %swap3A_97 = vector.shape_cast %broadcast_in_dim3A_31 : vector<16xf32> to vector<16xf32>
      tpu.vector_store %arg7[%swap3A_94], %swap3A_97 {strides = array<i32>} : memref<1024xf32, #tpu.memory_space<vmem>>, vector<16xf32>,
    }
    %scan3A_36 = arith.constant 64 : i32
    %scan3A_37 = arith.constant 0 : i32
    %scan3A_38 = arith.constant 0 : i32
    %scan3A_39 = arith.constant 8 : i32
    %scan3A_40 = arith.addi %scan3A_38, %scan3A_39 : i32
    %scan3A_41 = arith.constant 1 : i32
    scf.for %scan3A_91 = %scan3A_38 to %scan3A_40 step %scan3A_41  : i32 {
      %mul3A_92 = arith.constant 8192 : i32
      %mul3A_93 = arith.muli %arg1, %mul3A_92 : i32
      %mul3A_94 = arith.constant 1024 : i32
      %mul3A_95 = arith.muli %scan3A_91, %mul3A_94 : i32
      %add3A_96 = arith.addi %mul3A_93, %mul3A_95 : i32
      "tpu.region"() ({
        %run_scoped3A = tpu.sem_alloc : memref<!tpu.dma_semaphore, #tpu.memory_space<semaphore_mem>>
        %dma_start3A = tpu.memref_slice %arg8[%add3A_96] : memref<131072xf32, #tpu.memory_space<vmem_shared>> -> memref<1024xf32, #tpu.memory_space<vmem_shared>>
        %dma_start3A_97 = tpu.memref_slice %arg8[%add3A_96] : memref<131072xf32, #tpu.memory_space<vmem_shared>> -> memref<1024xf32, #tpu.memory_space<vmem_shared>>
        tpu.enqueue_dma source(%arg7 : memref<1024xf32, #tpu.memory_space<vmem>>) target(%dma_start3A_97 : memref<1024xf32, #tpu.memory_space<vmem_shared>>) target_semaphore(%run_scoped3A : memref<!tpu.dma_semaphore, #tpu.memory_space<semaphore_mem>>)
        %dma_wait3A = tpu.memref_slice %arg8[%add3A_96] : memref<131072xf32, #tpu.memory_space<vmem_shared>> -> memref<1024xf32, #tpu.memory_space<vmem_shared>>
        %dma_wait3A_98 = tpu.memref_slice %arg8[%add3A_96] : memref<131072xf32, #tpu.memory_space<vmem_shared>> -> memref<1024xf32, #tpu.memory_space<vmem_shared>>
        tpu.wait_dma2 semaphore(%run_scoped3A : memref<!tpu.dma_semaphore, #tpu.memory_space<semaphore_mem>>) src(%arg7 : memref<1024xf32, #tpu.memory_space<vmem>>) dst(%dma_wait3A_98 : memref<1024xf32, #tpu.memory_space<vmem_shared>>)
        tpu.yield
      }) : () -> ()
    }
    %scan3A_42 = arith.constant 8 : i32
    %broadcast_in_dim3A_43 = arith.constant 1.000000e+00 : f32
    %broadcast_in_dim3A_44 = vector.broadcast %broadcast_in_dim3A_43 : f32 to vector<16xf32>
    %swap3A = arith.constant 0 : index
    %swap3A_45 = tpu.vector_load %arg6[%swap3A] {strides = array<i32>} : memref<128xf32, #tpu.memory_space<vmem>>, vector<16xf32>,
    %swap3A_46 = vector.shape_cast %swap3A_45 : vector<16xf32> to vector<16xf32>
    %swap3A_47 = vector.shape_cast %broadcast_in_dim3A_44 : vector<16xf32> to vector<16xf32>
    tpu.vector_store %arg6[%swap3A], %swap3A_47 {strides = array<i32>} : memref<128xf32, #tpu.memory_space<vmem>>, vector<16xf32>,
    %swap3A_48 = arith.constant 16 : index
    %swap3A_49 = tpu.vector_load %arg6[%swap3A_48] {strides = array<i32>} : memref<128xf32, #tpu.memory_space<vmem>>, vector<16xf32>,
    %swap3A_50 = vector.shape_cast %swap3A_49 : vector<16xf32> to vector<16xf32>
    %swap3A_51 = vector.shape_cast %broadcast_in_dim3A_44 : vector<16xf32> to vector<16xf32>
    tpu.vector_store %arg6[%swap3A_48], %swap3A_51 {strides = array<i32>} : memref<128xf32, #tpu.memory_space<vmem>>, vector<16xf32>,
    %swap3A_52 = arith.constant 32 : index
    %swap3A_53 = tpu.vector_load %arg6[%swap3A_52] {strides = array<i32>} : memref<128xf32, #tpu.memory_space<vmem>>, vector<16xf32>,
    %swap3A_54 = vector.shape_cast %swap3A_53 : vector<16xf32> to vector<16xf32>
    %swap3A_55 = vector.shape_cast %broadcast_in_dim3A_44 : vector<16xf32> to vector<16xf32>
    tpu.vector_store %arg6[%swap3A_52], %swap3A_55 {strides = array<i32>} : memref<128xf32, #tpu.memory_space<vmem>>, vector<16xf32>,
    %swap3A_56 = arith.constant 48 : index
    %swap3A_57 = tpu.vector_load %arg6[%swap3A_56] {strides = array<i32>} : memref<128xf32, #tpu.memory_space<vmem>>, vector<16xf32>,
    %swap3A_58 = vector.shape_cast %swap3A_57 : vector<16xf32> to vector<16xf32>
    %swap3A_59 = vector.shape_cast %broadcast_in_dim3A_44 : vector<16xf32> to vector<16xf32>
    tpu.vector_store %arg6[%swap3A_56], %swap3A_59 {strides = array<i32>} : memref<128xf32, #tpu.memory_space<vmem>>, vector<16xf32>,
    %swap3A_60 = arith.constant 64 : index
    %swap3A_61 = tpu.vector_load %arg6[%swap3A_60] {strides = array<i32>} : memref<128xf32, #tpu.memory_space<vmem>>, vector<16xf32>,
    %swap3A_62 = vector.shape_cast %swap3A_61 : vector<16xf32> to vector<16xf32>
    %swap3A_63 = vector.shape_cast %broadcast_in_dim3A_44 : vector<16xf32> to vector<16xf32>
    tpu.vector_store %arg6[%swap3A_60], %swap3A_63 {strides = array<i32>} : memref<128xf32, #tpu.memory_space<vmem>>, vector<16xf32>,
    %swap3A_64 = arith.constant 80 : index
    %swap3A_65 = tpu.vector_load %arg6[%swap3A_64] {strides = array<i32>} : memref<128xf32, #tpu.memory_space<vmem>>, vector<16xf32>,
    %swap3A_66 = vector.shape_cast %swap3A_65 : vector<16xf32> to vector<16xf32>
    %swap3A_67 = vector.shape_cast %broadcast_in_dim3A_44 : vector<16xf32> to vector<16xf32>
    tpu.vector_store %arg6[%swap3A_64], %swap3A_67 {strides = array<i32>} : memref<128xf32, #tpu.memory_space<vmem>>, vector<16xf32>,
    %swap3A_68 = arith.constant 96 : index
    %swap3A_69 = tpu.vector_load %arg6[%swap3A_68] {strides = array<i32>} : memref<128xf32, #tpu.memory_space<vmem>>, vector<16xf32>,
    %swap3A_70 = vector.shape_cast %swap3A_69 : vector<16xf32> to vector<16xf32>
    %swap3A_71 = vector.shape_cast %broadcast_in_dim3A_44 : vector<16xf32> to vector<16xf32>
    tpu.vector_store %arg6[%swap3A_68], %swap3A_71 {strides = array<i32>} : memref<128xf32, #tpu.memory_space<vmem>>, vector<16xf32>,
    %swap3A_72 = arith.constant 112 : index
    %swap3A_73 = tpu.vector_load %arg6[%swap3A_72] {strides = array<i32>} : memref<128xf32, #tpu.memory_space<vmem>>, vector<16xf32>,
    %swap3A_74 = vector.shape_cast %swap3A_73 : vector<16xf32> to vector<16xf32>
    %swap3A_75 = vector.shape_cast %broadcast_in_dim3A_44 : vector<16xf32> to vector<16xf32>
    tpu.vector_store %arg6[%swap3A_72], %swap3A_75 {strides = array<i32>} : memref<128xf32, #tpu.memory_space<vmem>>, vector<16xf32>,
    %barrier3A = arith.constant 0 : index
    tpu.barrier barrier_id(%barrier3A)
    %mul3A_76 = arith.constant 9216 : i32
    %mul3A_77 = arith.muli %select_n3A_28, %mul3A_76 : i32
    %mul3A_78 = arith.constant 32768 : i32
    %mul3A_79 = arith.muli %select_n3A, %mul3A_78 : i32
    %scan3A_80 = arith.constant 0 : i32
    %scan3A_81 = arith.constant 0 : i32
    %scan3A_82 = arith.constant 9 : i32
    %scan3A_83 = arith.addi %scan3A_81, %scan3A_82 : i32
    %scan3A_84 = arith.constant 1 : i32
    scf.for %scan3A_91 = %scan3A_81 to %scan3A_83 step %scan3A_84  : i32 {
      %mul3A_92 = arith.constant 1024 : i32
      %mul3A_93 = arith.muli %scan3A_91, %mul3A_92 : i32
      %add3A_94 = arith.addi %mul3A_77, %mul3A_93 : i32
      "tpu.region"() ({
        %run_scoped3A = tpu.sem_alloc : memref<!tpu.dma_semaphore, #tpu.memory_space<semaphore_mem>>
        %dma_start3A = tpu.memref_slice %arg2[%add3A_30, %add3A_94] : memref<8x36864xf32, #tpu.memory_space<hbm>> -> memref<1x1024xf32, #tpu.memory_space<hbm>>
        %dma_start3A_101 = tpu.memref_squeeze %dma_start3A : memref<1x1024xf32, #tpu.memory_space<hbm>> -> memref<1024xf32, #tpu.memory_space<hbm>>
        %dma_start3A_102 = tpu.memref_slice %arg2[%add3A_30, %add3A_94] : memref<8x36864xf32, #tpu.memory_space<hbm>> -> memref<1x1024xf32, #tpu.memory_space<hbm>>
        %dma_start3A_103 = tpu.memref_squeeze %dma_start3A_102 : memref<1x1024xf32, #tpu.memory_space<hbm>> -> memref<1024xf32, #tpu.memory_space<hbm>>
        tpu.enqueue_dma source(%dma_start3A_103 : memref<1024xf32, #tpu.memory_space<hbm>>) target(%arg4 : memref<1024xf32, #tpu.memory_space<vmem>>) target_semaphore(%run_scoped3A : memref<!tpu.dma_semaphore, #tpu.memory_space<semaphore_mem>>)
        %dma_wait3A = tpu.memref_slice %arg2[%add3A_30, %add3A_94] : memref<8x36864xf32, #tpu.memory_space<hbm>> -> memref<1x1024xf32, #tpu.memory_space<hbm>>
        %dma_wait3A_104 = tpu.memref_squeeze %dma_wait3A : memref<1x1024xf32, #tpu.memory_space<hbm>> -> memref<1024xf32, #tpu.memory_space<hbm>>
        %dma_wait3A_105 = tpu.memref_slice %arg2[%add3A_30, %add3A_94] : memref<8x36864xf32, #tpu.memory_space<hbm>> -> memref<1x1024xf32, #tpu.memory_space<hbm>>
        %dma_wait3A_106 = tpu.memref_squeeze %dma_wait3A_105 : memref<1x1024xf32, #tpu.memory_space<hbm>> -> memref<1024xf32, #tpu.memory_space<hbm>>
        tpu.wait_dma2 semaphore(%run_scoped3A : memref<!tpu.dma_semaphore, #tpu.memory_space<semaphore_mem>>) src(%dma_wait3A_106 : memref<1024xf32, #tpu.memory_space<hbm>>) dst(%arg4 : memref<1024xf32, #tpu.memory_space<vmem>>)
        tpu.yield
      }) : () -> ()
      %scan3A_95 = arith.constant 0 : i32
      %scan3A_96 = arith.constant 0 : i32
      %scan3A_97 = arith.constant 8 : i32
      %scan3A_98 = arith.addi %scan3A_96, %scan3A_97 : i32
      %scan3A_99 = arith.constant 1 : i32
      scf.for %scan3A_101 = %scan3A_96 to %scan3A_98 step %scan3A_99  : i32 {
        %mul3A_102 = arith.constant 128 : i32
        %mul3A_103 = arith.muli %scan3A_101, %mul3A_102 : i32
        %add3A_104 = arith.constant 0 : i32
        %add3A_105 = arith.addi %mul3A_103, %add3A_104 : i32
        %get3A = arith.index_cast %add3A_105 : i32 to index
        %get3A_106 = tpu.vector_load %arg4[%get3A] {strides = array<i32>} : memref<1024xf32, #tpu.memory_space<vmem>>, vector<16xf32>,
        %get3A_107 = vector.shape_cast %get3A_106 : vector<16xf32> to vector<16xf32>
        %bitcast_convert_type3A = tpu.bitcast %get3A_107 : vector<16xf32> -> vector<16xi32>
        %shift_right_logical3A = arith.constant 16 : i32
        %shift_right_logical3A_108 = vector.broadcast %shift_right_logical3A : i32 to vector<16xi32>
        %shift_right_logical3A_109 = arith.shrui %bitcast_convert_type3A, %shift_right_logical3A_108 : vector<16xi32>
        %add3A_110 = vector.broadcast %mul3A_79 : i32 to vector<16xi32>
        %add3A_111 = arith.addi %shift_right_logical3A_109, %add3A_110 : vector<16xi32>
        %swap3A_112 = arith.constant 0 : index
        %swap3A_113 = tpu.vector_load %arg5[%swap3A_112] {strides = array<i32>} : memref<128xi32, #tpu.memory_space<vmem>>, vector<16xi32>,
        %swap3A_114 = vector.shape_cast %swap3A_113 : vector<16xi32> to vector<16xi32>
        %swap3A_115 = vector.shape_cast %add3A_111 : vector<16xi32> to vector<16xi32>
        tpu.vector_store %arg5[%swap3A_112], %swap3A_115 {strides = array<i32>} : memref<128xi32, #tpu.memory_space<vmem>>, vector<16xi32>,
        %mul3A_116 = arith.constant 128 : i32
        %mul3A_117 = arith.muli %scan3A_101, %mul3A_116 : i32
        %add3A_118 = arith.constant 16 : i32
        %add3A_119 = arith.addi %mul3A_117, %add3A_118 : i32
        %get3A_120 = arith.index_cast %add3A_119 : i32 to index
        %get3A_121 = tpu.vector_load %arg4[%get3A_120] {strides = array<i32>} : memref<1024xf32, #tpu.memory_space<vmem>>, vector<16xf32>,
        %get3A_122 = vector.shape_cast %get3A_121 : vector<16xf32> to vector<16xf32>
        %bitcast_convert_type3A_123 = tpu.bitcast %get3A_122 : vector<16xf32> -> vector<16xi32>
        %shift_right_logical3A_124 = arith.constant 16 : i32
        %shift_right_logical3A_125 = vector.broadcast %shift_right_logical3A_124 : i32 to vector<16xi32>
        %shift_right_logical3A_126 = arith.shrui %bitcast_convert_type3A_123, %shift_right_logical3A_125 : vector<16xi32>
        %add3A_127 = vector.broadcast %mul3A_79 : i32 to vector<16xi32>
        %add3A_128 = arith.addi %shift_right_logical3A_126, %add3A_127 : vector<16xi32>
        %swap3A_129 = arith.constant 16 : index
        %swap3A_130 = tpu.vector_load %arg5[%swap3A_129] {strides = array<i32>} : memref<128xi32, #tpu.memory_space<vmem>>, vector<16xi32>,
        %swap3A_131 = vector.shape_cast %swap3A_130 : vector<16xi32> to vector<16xi32>
        %swap3A_132 = vector.shape_cast %add3A_128 : vector<16xi32> to vector<16xi32>
        tpu.vector_store %arg5[%swap3A_129], %swap3A_132 {strides = array<i32>} : memref<128xi32, #tpu.memory_space<vmem>>, vector<16xi32>,
        %mul3A_133 = arith.constant 128 : i32
        %mul3A_134 = arith.muli %scan3A_101, %mul3A_133 : i32
        %add3A_135 = arith.constant 32 : i32
        %add3A_136 = arith.addi %mul3A_134, %add3A_135 : i32
        %get3A_137 = arith.index_cast %add3A_136 : i32 to index
        %get3A_138 = tpu.vector_load %arg4[%get3A_137] {strides = array<i32>} : memref<1024xf32, #tpu.memory_space<vmem>>, vector<16xf32>,
        %get3A_139 = vector.shape_cast %get3A_138 : vector<16xf32> to vector<16xf32>
        %bitcast_convert_type3A_140 = tpu.bitcast %get3A_139 : vector<16xf32> -> vector<16xi32>
        %shift_right_logical3A_141 = arith.constant 16 : i32
        %shift_right_logical3A_142 = vector.broadcast %shift_right_logical3A_141 : i32 to vector<16xi32>
        %shift_right_logical3A_143 = arith.shrui %bitcast_convert_type3A_140, %shift_right_logical3A_142 : vector<16xi32>
        %add3A_144 = vector.broadcast %mul3A_79 : i32 to vector<16xi32>
        %add3A_145 = arith.addi %shift_right_logical3A_143, %add3A_144 : vector<16xi32>
        %swap3A_146 = arith.constant 32 : index
        %swap3A_147 = tpu.vector_load %arg5[%swap3A_146] {strides = array<i32>} : memref<128xi32, #tpu.memory_space<vmem>>, vector<16xi32>,
        %swap3A_148 = vector.shape_cast %swap3A_147 : vector<16xi32> to vector<16xi32>
        %swap3A_149 = vector.shape_cast %add3A_145 : vector<16xi32> to vector<16xi32>
        tpu.vector_store %arg5[%swap3A_146], %swap3A_149 {strides = array<i32>} : memref<128xi32, #tpu.memory_space<vmem>>, vector<16xi32>,
        %mul3A_150 = arith.constant 128 : i32
        %mul3A_151 = arith.muli %scan3A_101, %mul3A_150 : i32
        %add3A_152 = arith.constant 48 : i32
        %add3A_153 = arith.addi %mul3A_151, %add3A_152 : i32
        %get3A_154 = arith.index_cast %add3A_153 : i32 to index
        %get3A_155 = tpu.vector_load %arg4[%get3A_154] {strides = array<i32>} : memref<1024xf32, #tpu.memory_space<vmem>>, vector<16xf32>,
        %get3A_156 = vector.shape_cast %get3A_155 : vector<16xf32> to vector<16xf32>
        %bitcast_convert_type3A_157 = tpu.bitcast %get3A_156 : vector<16xf32> -> vector<16xi32>
        %shift_right_logical3A_158 = arith.constant 16 : i32
        %shift_right_logical3A_159 = vector.broadcast %shift_right_logical3A_158 : i32 to vector<16xi32>
        %shift_right_logical3A_160 = arith.shrui %bitcast_convert_type3A_157, %shift_right_logical3A_159 : vector<16xi32>
        %add3A_161 = vector.broadcast %mul3A_79 : i32 to vector<16xi32>
        %add3A_162 = arith.addi %shift_right_logical3A_160, %add3A_161 : vector<16xi32>
        %swap3A_163 = arith.constant 48 : index
        %swap3A_164 = tpu.vector_load %arg5[%swap3A_163] {strides = array<i32>} : memref<128xi32, #tpu.memory_space<vmem>>, vector<16xi32>,
        %swap3A_165 = vector.shape_cast %swap3A_164 : vector<16xi32> to vector<16xi32>
        %swap3A_166 = vector.shape_cast %add3A_162 : vector<16xi32> to vector<16xi32>
        tpu.vector_store %arg5[%swap3A_163], %swap3A_166 {strides = array<i32>} : memref<128xi32, #tpu.memory_space<vmem>>, vector<16xi32>,
        %mul3A_167 = arith.constant 128 : i32
        %mul3A_168 = arith.muli %scan3A_101, %mul3A_167 : i32
        %add3A_169 = arith.constant 64 : i32
        %add3A_170 = arith.addi %mul3A_168, %add3A_169 : i32
        %get3A_171 = arith.index_cast %add3A_170 : i32 to index
        %get3A_172 = tpu.vector_load %arg4[%get3A_171] {strides = array<i32>} : memref<1024xf32, #tpu.memory_space<vmem>>, vector<16xf32>,
        %get3A_173 = vector.shape_cast %get3A_172 : vector<16xf32> to vector<16xf32>
        %bitcast_convert_type3A_174 = tpu.bitcast %get3A_173 : vector<16xf32> -> vector<16xi32>
        %shift_right_logical3A_175 = arith.constant 16 : i32
        %shift_right_logical3A_176 = vector.broadcast %shift_right_logical3A_175 : i32 to vector<16xi32>
        %shift_right_logical3A_177 = arith.shrui %bitcast_convert_type3A_174, %shift_right_logical3A_176 : vector<16xi32>
        %add3A_178 = vector.broadcast %mul3A_79 : i32 to vector<16xi32>
        %add3A_179 = arith.addi %shift_right_logical3A_177, %add3A_178 : vector<16xi32>
        %swap3A_180 = arith.constant 64 : index
        %swap3A_181 = tpu.vector_load %arg5[%swap3A_180] {strides = array<i32>} : memref<128xi32, #tpu.memory_space<vmem>>, vector<16xi32>,
        %swap3A_182 = vector.shape_cast %swap3A_181 : vector<16xi32> to vector<16xi32>
        %swap3A_183 = vector.shape_cast %add3A_179 : vector<16xi32> to vector<16xi32>
        tpu.vector_store %arg5[%swap3A_180], %swap3A_183 {strides = array<i32>} : memref<128xi32, #tpu.memory_space<vmem>>, vector<16xi32>,
        %mul3A_184 = arith.constant 128 : i32
        %mul3A_185 = arith.muli %scan3A_101, %mul3A_184 : i32
        %add3A_186 = arith.constant 80 : i32
        %add3A_187 = arith.addi %mul3A_185, %add3A_186 : i32
        %get3A_188 = arith.index_cast %add3A_187 : i32 to index
        %get3A_189 = tpu.vector_load %arg4[%get3A_188] {strides = array<i32>} : memref<1024xf32, #tpu.memory_space<vmem>>, vector<16xf32>,
        %get3A_190 = vector.shape_cast %get3A_189 : vector<16xf32> to vector<16xf32>
        %bitcast_convert_type3A_191 = tpu.bitcast %get3A_190 : vector<16xf32> -> vector<16xi32>
        %shift_right_logical3A_192 = arith.constant 16 : i32
        %shift_right_logical3A_193 = vector.broadcast %shift_right_logical3A_192 : i32 to vector<16xi32>
        %shift_right_logical3A_194 = arith.shrui %bitcast_convert_type3A_191, %shift_right_logical3A_193 : vector<16xi32>
        %add3A_195 = vector.broadcast %mul3A_79 : i32 to vector<16xi32>
        %add3A_196 = arith.addi %shift_right_logical3A_194, %add3A_195 : vector<16xi32>
        %swap3A_197 = arith.constant 80 : index
        %swap3A_198 = tpu.vector_load %arg5[%swap3A_197] {strides = array<i32>} : memref<128xi32, #tpu.memory_space<vmem>>, vector<16xi32>,
        %swap3A_199 = vector.shape_cast %swap3A_198 : vector<16xi32> to vector<16xi32>
        %swap3A_200 = vector.shape_cast %add3A_196 : vector<16xi32> to vector<16xi32>
        tpu.vector_store %arg5[%swap3A_197], %swap3A_200 {strides = array<i32>} : memref<128xi32, #tpu.memory_space<vmem>>, vector<16xi32>,
        %mul3A_201 = arith.constant 128 : i32
        %mul3A_202 = arith.muli %scan3A_101, %mul3A_201 : i32
        %add3A_203 = arith.constant 96 : i32
        %add3A_204 = arith.addi %mul3A_202, %add3A_203 : i32
        %get3A_205 = arith.index_cast %add3A_204 : i32 to index
        %get3A_206 = tpu.vector_load %arg4[%get3A_205] {strides = array<i32>} : memref<1024xf32, #tpu.memory_space<vmem>>, vector<16xf32>,
        %get3A_207 = vector.shape_cast %get3A_206 : vector<16xf32> to vector<16xf32>
        %bitcast_convert_type3A_208 = tpu.bitcast %get3A_207 : vector<16xf32> -> vector<16xi32>
        %shift_right_logical3A_209 = arith.constant 16 : i32
        %shift_right_logical3A_210 = vector.broadcast %shift_right_logical3A_209 : i32 to vector<16xi32>
        %shift_right_logical3A_211 = arith.shrui %bitcast_convert_type3A_208, %shift_right_logical3A_210 : vector<16xi32>
        %add3A_212 = vector.broadcast %mul3A_79 : i32 to vector<16xi32>
        %add3A_213 = arith.addi %shift_right_logical3A_211, %add3A_212 : vector<16xi32>
        %swap3A_214 = arith.constant 96 : index
        %swap3A_215 = tpu.vector_load %arg5[%swap3A_214] {strides = array<i32>} : memref<128xi32, #tpu.memory_space<vmem>>, vector<16xi32>,
        %swap3A_216 = vector.shape_cast %swap3A_215 : vector<16xi32> to vector<16xi32>
        %swap3A_217 = vector.shape_cast %add3A_213 : vector<16xi32> to vector<16xi32>
        tpu.vector_store %arg5[%swap3A_214], %swap3A_217 {strides = array<i32>} : memref<128xi32, #tpu.memory_space<vmem>>, vector<16xi32>,
        %mul3A_218 = arith.constant 128 : i32
        %mul3A_219 = arith.muli %scan3A_101, %mul3A_218 : i32
        %add3A_220 = arith.constant 112 : i32
        %add3A_221 = arith.addi %mul3A_219, %add3A_220 : i32
        %get3A_222 = arith.index_cast %add3A_221 : i32 to index
        %get3A_223 = tpu.vector_load %arg4[%get3A_222] {strides = array<i32>} : memref<1024xf32, #tpu.memory_space<vmem>>, vector<16xf32>,
        %get3A_224 = vector.shape_cast %get3A_223 : vector<16xf32> to vector<16xf32>
        %bitcast_convert_type3A_225 = tpu.bitcast %get3A_224 : vector<16xf32> -> vector<16xi32>
        %shift_right_logical3A_226 = arith.constant 16 : i32
        %shift_right_logical3A_227 = vector.broadcast %shift_right_logical3A_226 : i32 to vector<16xi32>
        %shift_right_logical3A_228 = arith.shrui %bitcast_convert_type3A_225, %shift_right_logical3A_227 : vector<16xi32>
        %add3A_229 = vector.broadcast %mul3A_79 : i32 to vector<16xi32>
        %add3A_230 = arith.addi %shift_right_logical3A_228, %add3A_229 : vector<16xi32>
        %swap3A_231 = arith.constant 112 : index
        %swap3A_232 = tpu.vector_load %arg5[%swap3A_231] {strides = array<i32>} : memref<128xi32, #tpu.memory_space<vmem>>, vector<16xi32>,
        %swap3A_233 = vector.shape_cast %swap3A_232 : vector<16xi32> to vector<16xi32>
        %swap3A_234 = vector.shape_cast %add3A_230 : vector<16xi32> to vector<16xi32>
        tpu.vector_store %arg5[%swap3A_231], %swap3A_234 {strides = array<i32>} : memref<128xi32, #tpu.memory_space<vmem>>, vector<16xi32>,
        "tpu.region"() ({
          %run_scoped3A = tpu.sem_alloc : memref<!tpu.dma_semaphore, #tpu.memory_space<semaphore_mem>>
          %dma_start3A = arith.constant 0 : i32
          %dma_start3A_235 = tpu.memref_slice %arg8[%dma_start3A] : memref<131072xf32, #tpu.memory_space<vmem_shared>> -> memref<131072xf32, #tpu.memory_space<vmem_shared>>
          tpu.enqueue_indirect_dma source(%arg6 : memref<128xf32, #tpu.memory_space<vmem>>) target(%dma_start3A_235 : memref<131072xf32, #tpu.memory_space<vmem_shared>>) offsets(%arg5 : memref<128xi32, #tpu.memory_space<vmem>>) semaphore(%run_scoped3A : memref<!tpu.dma_semaphore, #tpu.memory_space<semaphore_mem>>) {add = true}
          %dma_wait3A = arith.constant 0 : i32
          %dma_wait3A_236 = tpu.memref_slice %arg8[%dma_wait3A] : memref<131072xf32, #tpu.memory_space<vmem_shared>> -> memref<131072xf32, #tpu.memory_space<vmem_shared>>
          tpu.wait_indirect_dma semaphore(%run_scoped3A : memref<!tpu.dma_semaphore, #tpu.memory_space<semaphore_mem>>) src(%arg6 : memref<128xf32, #tpu.memory_space<vmem>>) dst(%dma_wait3A_236 : memref<131072xf32, #tpu.memory_space<vmem_shared>>)
          tpu.yield
        }) : () -> ()
      }
      %scan3A_100 = arith.constant 8 : i32
    }
    %scan3A_85 = arith.constant 9 : i32
    %barrier3A_86 = arith.constant 0 : index
    tpu.barrier barrier_id(%barrier3A_86)
    %mul3A_87 = arith.constant 8192 : i32
    %mul3A_88 = arith.muli %arg1, %mul3A_87 : i32
    %mul3A_89 = arith.constant 8192 : i32
    %mul3A_90 = arith.muli %select_n3A_28, %mul3A_89 : i32
    "tpu.region"() ({
      %run_scoped3A = tpu.sem_alloc : memref<!tpu.dma_semaphore, #tpu.memory_space<semaphore_mem>>
      %dma_start3A = tpu.memref_slice %arg3[%add3A_30, %mul3A_90] : memref<8x32768xf32, #tpu.memory_space<hbm>> -> memref<1x8192xf32, #tpu.memory_space<hbm>>
      %dma_start3A_91 = tpu.memref_squeeze %dma_start3A : memref<1x8192xf32, #tpu.memory_space<hbm>> -> memref<8192xf32, #tpu.memory_space<hbm>>
      %dma_start3A_92 = tpu.memref_slice %arg8[%mul3A_88] : memref<131072xf32, #tpu.memory_space<vmem_shared>> -> memref<8192xf32, #tpu.memory_space<vmem_shared>>
      tpu.enqueue_dma source(%dma_start3A_92 : memref<8192xf32, #tpu.memory_space<vmem_shared>>) target(%dma_start3A_91 : memref<8192xf32, #tpu.memory_space<hbm>>) target_semaphore(%run_scoped3A : memref<!tpu.dma_semaphore, #tpu.memory_space<semaphore_mem>>)
      %dma_wait3A = tpu.memref_slice %arg3[%add3A_30, %mul3A_90] : memref<8x32768xf32, #tpu.memory_space<hbm>> -> memref<1x8192xf32, #tpu.memory_space<hbm>>
      %dma_wait3A_93 = tpu.memref_squeeze %dma_wait3A : memref<1x8192xf32, #tpu.memory_space<hbm>> -> memref<8192xf32, #tpu.memory_space<hbm>>
      %dma_wait3A_94 = tpu.memref_slice %arg8[%mul3A_88] : memref<131072xf32, #tpu.memory_space<vmem_shared>> -> memref<8192xf32, #tpu.memory_space<vmem_shared>>
      tpu.wait_dma2 semaphore(%run_scoped3A : memref<!tpu.dma_semaphore, #tpu.memory_space<semaphore_mem>>) src(%dma_wait3A_94 : memref<8192xf32, #tpu.memory_space<vmem_shared>>) dst(%dma_wait3A_93 : memref<8192xf32, #tpu.memory_space<hbm>>)
      tpu.yield
    }) : () -> ()
    return
  }
}

#map = affine_map<(d0, d1) -> (0, 0)>
module attributes {stable_mosaic.version = 14 : i64} {
  func.func @_hist_body(%arg0: i32, %arg1: i32, %arg2: memref<8x36864xf32, #tpu.memory_space<hbm>>, %arg3: memref<8x32768xf32, #tpu.memory_space<hbm>>, %arg4: memref<1024xf32, #tpu.memory_space<vmem>>, %arg5: memref<128xi32, #tpu.memory_space<vmem>>, %arg6: memref<128xf32, #tpu.memory_space<vmem>>, %arg7: memref<1024xf32, #tpu.memory_space<vmem>>, %arg8: memref<131072xf32, #tpu.memory_space<vmem_shared>>) attributes {dimension_semantics = [#tpu.dimension_semantics<core_parallel>, #tpu.dimension_semantics<subcore_parallel>], iteration_bounds = array<i64: 2, 16>, scalar_prefetch = 0 : i64, scratch_operands = 5 : i64, tpu.core_type = #tpu.core_type<sc_vector_subcore>, window_params = [{transform_indices = #map}, {transform_indices = #map}]} {
    %jit3A = arith.constant 4 : i32
    %div3A = arith.divsi %arg1, %jit3A : i32
    %sign3A = arith.constant 0 : i32
    %sign3A_0 = arith.cmpi sgt, %arg1, %sign3A : i32
    %sign3A_1 = arith.extui %sign3A_0 : i1 to i32
    %sign3A_2 = arith.constant 0 : i32
    %sign3A_3 = arith.cmpi slt, %arg1, %sign3A_2 : i32
    %sign3A_4 = arith.extui %sign3A_3 : i1 to i32
    %sign3A_5 = arith.subi %sign3A_1, %sign3A_4 : i32
    %sign3A_6 = arith.constant 0 : i32
    %sign3A_7 = arith.cmpi sgt, %jit3A, %sign3A_6 : i32
    %sign3A_8 = arith.extui %sign3A_7 : i1 to i32
    %sign3A_9 = arith.constant 0 : i32
    %sign3A_10 = arith.cmpi slt, %jit3A, %sign3A_9 : i32
    %sign3A_11 = arith.extui %sign3A_10 : i1 to i32
    %sign3A_12 = arith.subi %sign3A_8, %sign3A_11 : i32
    %ne3A = arith.cmpi ne, %sign3A_5, %sign3A_12 : i32
    %rem3A = arith.remsi %arg1, %jit3A : i32
    %ne3A_13 = arith.constant 0 : i32
    %ne3A_14 = arith.cmpi ne, %rem3A, %ne3A_13 : i32
    %and3A = arith.andi %ne3A, %ne3A_14 : i1
    %sub3A = arith.constant 1 : i32
    %sub3A_15 = arith.subi %div3A, %sub3A : i32
    %select_n3A = arith.select %and3A, %sub3A_15, %div3A : i32
    %jit3A_16 = arith.constant 4 : i32
    %eq3A = arith.constant 0 : i32
    %eq3A_17 = arith.cmpi eq, %jit3A_16, %eq3A : i32
    %jit3A_18 = arith.constant 1 : i32
    %select_n3A_19 = arith.select %eq3A_17, %jit3A_18, %jit3A_16 : i32
    %rem3A_20 = arith.remsi %arg1, %select_n3A_19 : i32
    %ne3A_21 = arith.constant 0 : i32
    %ne3A_22 = arith.cmpi ne, %rem3A_20, %ne3A_21 : i32
    %lt3A = arith.constant 0 : i32
    %lt3A_23 = arith.cmpi slt, %rem3A_20, %lt3A : i32
    %lt3A_24 = arith.constant 0 : i32
    %lt3A_25 = arith.cmpi slt, %select_n3A_19, %lt3A_24 : i32
    %ne3A_26 = arith.xori %lt3A_23, %lt3A_25 : i1
    %and3A_27 = arith.andi %ne3A_26, %ne3A_22 : i1
    %add3A = arith.addi %rem3A_20, %select_n3A_19 : i32
    %select_n3A_28 = arith.select %and3A_27, %add3A, %rem3A_20 : i32
    %mul3A = arith.constant 4 : i32
    %mul3A_29 = arith.muli %arg0, %mul3A : i32
    %add3A_30 = arith.addi %mul3A_29, %select_n3A : i32
    %broadcast_in_dim3A = arith.constant 0.000000e+00 : f32
    %broadcast_in_dim3A_31 = vector.broadcast %broadcast_in_dim3A : f32 to vector<16xf32>
    %scan3A = arith.constant 0 : i32
    %scan3A_32 = arith.constant 0 : i32
    %scan3A_33 = arith.constant 64 : i32
    %scan3A_34 = arith.addi %scan3A_32, %scan3A_33 : i32
    %scan3A_35 = arith.constant 1 : i32
    scf.for %scan3A_91 = %scan3A_32 to %scan3A_34 step %scan3A_35  : i32 {
      %mul3A_92 = arith.constant 16 : i32
      %mul3A_93 = arith.muli %scan3A_91, %mul3A_92 : i32
      %swap3A_94 = arith.index_cast %mul3A_93 : i32 to index
      %swap3A_95 = tpu.vector_load %arg7[%swap3A_94] {strides = array<i32>} : memref<1024xf32, #tpu.memory_space<vmem>>, vector<16xf32>,
      %swap3A_96 = vector.shape_cast %swap3A_95 : vector<16xf32> to vector<16xf32>
      %swap3A_97 = vector.shape_cast %broadcast_in_dim3A_31 : vector<16xf32> to vector<16xf32>
      tpu.vector_store %arg7[%swap3A_94], %swap3A_97 {strides = array<i32>} : memref<1024xf32, #tpu.memory_space<vmem>>, vector<16xf32>,
    }
    %scan3A_36 = arith.constant 64 : i32
    %scan3A_37 = arith.constant 0 : i32
    %scan3A_38 = arith.constant 0 : i32
    %scan3A_39 = arith.constant 8 : i32
    %scan3A_40 = arith.addi %scan3A_38, %scan3A_39 : i32
    %scan3A_41 = arith.constant 1 : i32
    scf.for %scan3A_91 = %scan3A_38 to %scan3A_40 step %scan3A_41  : i32 {
      %mul3A_92 = arith.constant 8192 : i32
      %mul3A_93 = arith.muli %arg1, %mul3A_92 : i32
      %mul3A_94 = arith.constant 1024 : i32
      %mul3A_95 = arith.muli %scan3A_91, %mul3A_94 : i32
      %add3A_96 = arith.addi %mul3A_93, %mul3A_95 : i32
      "tpu.region"() ({
        %run_scoped3A = tpu.sem_alloc : memref<!tpu.dma_semaphore, #tpu.memory_space<semaphore_mem>>
        %dma_start3A = tpu.memref_slice %arg8[%add3A_96] : memref<131072xf32, #tpu.memory_space<vmem_shared>> -> memref<1024xf32, #tpu.memory_space<vmem_shared>>
        %dma_start3A_97 = tpu.memref_slice %arg8[%add3A_96] : memref<131072xf32, #tpu.memory_space<vmem_shared>> -> memref<1024xf32, #tpu.memory_space<vmem_shared>>
        tpu.enqueue_dma source(%arg7 : memref<1024xf32, #tpu.memory_space<vmem>>) target(%dma_start3A_97 : memref<1024xf32, #tpu.memory_space<vmem_shared>>) target_semaphore(%run_scoped3A : memref<!tpu.dma_semaphore, #tpu.memory_space<semaphore_mem>>)
        %dma_wait3A = tpu.memref_slice %arg8[%add3A_96] : memref<131072xf32, #tpu.memory_space<vmem_shared>> -> memref<1024xf32, #tpu.memory_space<vmem_shared>>
        %dma_wait3A_98 = tpu.memref_slice %arg8[%add3A_96] : memref<131072xf32, #tpu.memory_space<vmem_shared>> -> memref<1024xf32, #tpu.memory_space<vmem_shared>>
        tpu.wait_dma2 semaphore(%run_scoped3A : memref<!tpu.dma_semaphore, #tpu.memory_space<semaphore_mem>>) src(%arg7 : memref<1024xf32, #tpu.memory_space<vmem>>) dst(%dma_wait3A_98 : memref<1024xf32, #tpu.memory_space<vmem_shared>>)
        tpu.yield
      }) : () -> ()
    }
    %scan3A_42 = arith.constant 8 : i32
    %broadcast_in_dim3A_43 = arith.constant 1.000000e+00 : f32
    %broadcast_in_dim3A_44 = vector.broadcast %broadcast_in_dim3A_43 : f32 to vector<16xf32>
    %swap3A = arith.constant 0 : index
    %swap3A_45 = tpu.vector_load %arg6[%swap3A] {strides = array<i32>} : memref<128xf32, #tpu.memory_space<vmem>>, vector<16xf32>,
    %swap3A_46 = vector.shape_cast %swap3A_45 : vector<16xf32> to vector<16xf32>
    %swap3A_47 = vector.shape_cast %broadcast_in_dim3A_44 : vector<16xf32> to vector<16xf32>
    tpu.vector_store %arg6[%swap3A], %swap3A_47 {strides = array<i32>} : memref<128xf32, #tpu.memory_space<vmem>>, vector<16xf32>,
    %swap3A_48 = arith.constant 16 : index
    %swap3A_49 = tpu.vector_load %arg6[%swap3A_48] {strides = array<i32>} : memref<128xf32, #tpu.memory_space<vmem>>, vector<16xf32>,
    %swap3A_50 = vector.shape_cast %swap3A_49 : vector<16xf32> to vector<16xf32>
    %swap3A_51 = vector.shape_cast %broadcast_in_dim3A_44 : vector<16xf32> to vector<16xf32>
    tpu.vector_store %arg6[%swap3A_48], %swap3A_51 {strides = array<i32>} : memref<128xf32, #tpu.memory_space<vmem>>, vector<16xf32>,
    %swap3A_52 = arith.constant 32 : index
    %swap3A_53 = tpu.vector_load %arg6[%swap3A_52] {strides = array<i32>} : memref<128xf32, #tpu.memory_space<vmem>>, vector<16xf32>,
    %swap3A_54 = vector.shape_cast %swap3A_53 : vector<16xf32> to vector<16xf32>
    %swap3A_55 = vector.shape_cast %broadcast_in_dim3A_44 : vector<16xf32> to vector<16xf32>
    tpu.vector_store %arg6[%swap3A_52], %swap3A_55 {strides = array<i32>} : memref<128xf32, #tpu.memory_space<vmem>>, vector<16xf32>,
    %swap3A_56 = arith.constant 48 : index
    %swap3A_57 = tpu.vector_load %arg6[%swap3A_56] {strides = array<i32>} : memref<128xf32, #tpu.memory_space<vmem>>, vector<16xf32>,
    %swap3A_58 = vector.shape_cast %swap3A_57 : vector<16xf32> to vector<16xf32>
    %swap3A_59 = vector.shape_cast %broadcast_in_dim3A_44 : vector<16xf32> to vector<16xf32>
    tpu.vector_store %arg6[%swap3A_56], %swap3A_59 {strides = array<i32>} : memref<128xf32, #tpu.memory_space<vmem>>, vector<16xf32>,
    %swap3A_60 = arith.constant 64 : index
    %swap3A_61 = tpu.vector_load %arg6[%swap3A_60] {strides = array<i32>} : memref<128xf32, #tpu.memory_space<vmem>>, vector<16xf32>,
    %swap3A_62 = vector.shape_cast %swap3A_61 : vector<16xf32> to vector<16xf32>
    %swap3A_63 = vector.shape_cast %broadcast_in_dim3A_44 : vector<16xf32> to vector<16xf32>
    tpu.vector_store %arg6[%swap3A_60], %swap3A_63 {strides = array<i32>} : memref<128xf32, #tpu.memory_space<vmem>>, vector<16xf32>,
    %swap3A_64 = arith.constant 80 : index
    %swap3A_65 = tpu.vector_load %arg6[%swap3A_64] {strides = array<i32>} : memref<128xf32, #tpu.memory_space<vmem>>, vector<16xf32>,
    %swap3A_66 = vector.shape_cast %swap3A_65 : vector<16xf32> to vector<16xf32>
    %swap3A_67 = vector.shape_cast %broadcast_in_dim3A_44 : vector<16xf32> to vector<16xf32>
    tpu.vector_store %arg6[%swap3A_64], %swap3A_67 {strides = array<i32>} : memref<128xf32, #tpu.memory_space<vmem>>, vector<16xf32>,
    %swap3A_68 = arith.constant 96 : index
    %swap3A_69 = tpu.vector_load %arg6[%swap3A_68] {strides = array<i32>} : memref<128xf32, #tpu.memory_space<vmem>>, vector<16xf32>,
    %swap3A_70 = vector.shape_cast %swap3A_69 : vector<16xf32> to vector<16xf32>
    %swap3A_71 = vector.shape_cast %broadcast_in_dim3A_44 : vector<16xf32> to vector<16xf32>
    tpu.vector_store %arg6[%swap3A_68], %swap3A_71 {strides = array<i32>} : memref<128xf32, #tpu.memory_space<vmem>>, vector<16xf32>,
    %swap3A_72 = arith.constant 112 : index
    %swap3A_73 = tpu.vector_load %arg6[%swap3A_72] {strides = array<i32>} : memref<128xf32, #tpu.memory_space<vmem>>, vector<16xf32>,
    %swap3A_74 = vector.shape_cast %swap3A_73 : vector<16xf32> to vector<16xf32>
    %swap3A_75 = vector.shape_cast %broadcast_in_dim3A_44 : vector<16xf32> to vector<16xf32>
    tpu.vector_store %arg6[%swap3A_72], %swap3A_75 {strides = array<i32>} : memref<128xf32, #tpu.memory_space<vmem>>, vector<16xf32>,
    %barrier3A = arith.constant 0 : index
    tpu.barrier barrier_id(%barrier3A)
    %mul3A_76 = arith.constant 9216 : i32
    %mul3A_77 = arith.muli %select_n3A_28, %mul3A_76 : i32
    %mul3A_78 = arith.constant 32768 : i32
    %mul3A_79 = arith.muli %select_n3A, %mul3A_78 : i32
    %scan3A_80 = arith.constant 0 : i32
    %scan3A_81 = arith.constant 0 : i32
    %scan3A_82 = arith.constant 9 : i32
    %scan3A_83 = arith.addi %scan3A_81, %scan3A_82 : i32
    %scan3A_84 = arith.constant 1 : i32
    scf.for %scan3A_91 = %scan3A_81 to %scan3A_83 step %scan3A_84  : i32 {
      %mul3A_92 = arith.constant 1024 : i32
      %mul3A_93 = arith.muli %scan3A_91, %mul3A_92 : i32
      %add3A_94 = arith.addi %mul3A_77, %mul3A_93 : i32
      "tpu.region"() ({
        %run_scoped3A = tpu.sem_alloc : memref<!tpu.dma_semaphore, #tpu.memory_space<semaphore_mem>>
        %dma_start3A = tpu.memref_slice %arg2[%add3A_30, %add3A_94] : memref<8x36864xf32, #tpu.memory_space<hbm>> -> memref<1x1024xf32, #tpu.memory_space<hbm>>
        %dma_start3A_101 = tpu.memref_squeeze %dma_start3A : memref<1x1024xf32, #tpu.memory_space<hbm>> -> memref<1024xf32, #tpu.memory_space<hbm>>
        %dma_start3A_102 = tpu.memref_slice %arg2[%add3A_30, %add3A_94] : memref<8x36864xf32, #tpu.memory_space<hbm>> -> memref<1x1024xf32, #tpu.memory_space<hbm>>
        %dma_start3A_103 = tpu.memref_squeeze %dma_start3A_102 : memref<1x1024xf32, #tpu.memory_space<hbm>> -> memref<1024xf32, #tpu.memory_space<hbm>>
        tpu.enqueue_dma source(%dma_start3A_103 : memref<1024xf32, #tpu.memory_space<hbm>>) target(%arg4 : memref<1024xf32, #tpu.memory_space<vmem>>) target_semaphore(%run_scoped3A : memref<!tpu.dma_semaphore, #tpu.memory_space<semaphore_mem>>)
        %dma_wait3A = tpu.memref_slice %arg2[%add3A_30, %add3A_94] : memref<8x36864xf32, #tpu.memory_space<hbm>> -> memref<1x1024xf32, #tpu.memory_space<hbm>>
        %dma_wait3A_104 = tpu.memref_squeeze %dma_wait3A : memref<1x1024xf32, #tpu.memory_space<hbm>> -> memref<1024xf32, #tpu.memory_space<hbm>>
        %dma_wait3A_105 = tpu.memref_slice %arg2[%add3A_30, %add3A_94] : memref<8x36864xf32, #tpu.memory_space<hbm>> -> memref<1x1024xf32, #tpu.memory_space<hbm>>
        %dma_wait3A_106 = tpu.memref_squeeze %dma_wait3A_105 : memref<1x1024xf32, #tpu.memory_space<hbm>> -> memref<1024xf32, #tpu.memory_space<hbm>>
        tpu.wait_dma2 semaphore(%run_scoped3A : memref<!tpu.dma_semaphore, #tpu.memory_space<semaphore_mem>>) src(%dma_wait3A_106 : memref<1024xf32, #tpu.memory_space<hbm>>) dst(%arg4 : memref<1024xf32, #tpu.memory_space<vmem>>)
        tpu.yield
      }) : () -> ()
      %scan3A_95 = arith.constant 0 : i32
      %scan3A_96 = arith.constant 0 : i32
      %scan3A_97 = arith.constant 8 : i32
      %scan3A_98 = arith.addi %scan3A_96, %scan3A_97 : i32
      %scan3A_99 = arith.constant 1 : i32
      scf.for %scan3A_101 = %scan3A_96 to %scan3A_98 step %scan3A_99  : i32 {
        %mul3A_102 = arith.constant 128 : i32
        %mul3A_103 = arith.muli %scan3A_101, %mul3A_102 : i32
        %add3A_104 = arith.constant 0 : i32
        %add3A_105 = arith.addi %mul3A_103, %add3A_104 : i32
        %get3A = arith.index_cast %add3A_105 : i32 to index
        %get3A_106 = tpu.vector_load %arg4[%get3A] {strides = array<i32>} : memref<1024xf32, #tpu.memory_space<vmem>>, vector<16xf32>,
        %get3A_107 = vector.shape_cast %get3A_106 : vector<16xf32> to vector<16xf32>
        %bitcast_convert_type3A = tpu.bitcast %get3A_107 : vector<16xf32> -> vector<16xi32>
        %shift_right_logical3A = arith.constant 16 : i32
        %shift_right_logical3A_108 = vector.broadcast %shift_right_logical3A : i32 to vector<16xi32>
        %shift_right_logical3A_109 = arith.shrui %bitcast_convert_type3A, %shift_right_logical3A_108 : vector<16xi32>
        %add3A_110 = vector.broadcast %mul3A_79 : i32 to vector<16xi32>
        %add3A_111 = arith.addi %shift_right_logical3A_109, %add3A_110 : vector<16xi32>
        %swap3A_112 = arith.constant 0 : index
        %swap3A_113 = tpu.vector_load %arg5[%swap3A_112] {strides = array<i32>} : memref<128xi32, #tpu.memory_space<vmem>>, vector<16xi32>,
        %swap3A_114 = vector.shape_cast %swap3A_113 : vector<16xi32> to vector<16xi32>
        %swap3A_115 = vector.shape_cast %add3A_111 : vector<16xi32> to vector<16xi32>
        tpu.vector_store %arg5[%swap3A_112], %swap3A_115 {strides = array<i32>} : memref<128xi32, #tpu.memory_space<vmem>>, vector<16xi32>,
        %mul3A_116 = arith.constant 128 : i32
        %mul3A_117 = arith.muli %scan3A_101, %mul3A_116 : i32
        %add3A_118 = arith.constant 16 : i32
        %add3A_119 = arith.addi %mul3A_117, %add3A_118 : i32
        %get3A_120 = arith.index_cast %add3A_119 : i32 to index
        %get3A_121 = tpu.vector_load %arg4[%get3A_120] {strides = array<i32>} : memref<1024xf32, #tpu.memory_space<vmem>>, vector<16xf32>,
        %get3A_122 = vector.shape_cast %get3A_121 : vector<16xf32> to vector<16xf32>
        %bitcast_convert_type3A_123 = tpu.bitcast %get3A_122 : vector<16xf32> -> vector<16xi32>
        %shift_right_logical3A_124 = arith.constant 16 : i32
        %shift_right_logical3A_125 = vector.broadcast %shift_right_logical3A_124 : i32 to vector<16xi32>
        %shift_right_logical3A_126 = arith.shrui %bitcast_convert_type3A_123, %shift_right_logical3A_125 : vector<16xi32>
        %add3A_127 = vector.broadcast %mul3A_79 : i32 to vector<16xi32>
        %add3A_128 = arith.addi %shift_right_logical3A_126, %add3A_127 : vector<16xi32>
        %swap3A_129 = arith.constant 16 : index
        %swap3A_130 = tpu.vector_load %arg5[%swap3A_129] {strides = array<i32>} : memref<128xi32, #tpu.memory_space<vmem>>, vector<16xi32>,
        %swap3A_131 = vector.shape_cast %swap3A_130 : vector<16xi32> to vector<16xi32>
        %swap3A_132 = vector.shape_cast %add3A_128 : vector<16xi32> to vector<16xi32>
        tpu.vector_store %arg5[%swap3A_129], %swap3A_132 {strides = array<i32>} : memref<128xi32, #tpu.memory_space<vmem>>, vector<16xi32>,
        %mul3A_133 = arith.constant 128 : i32
        %mul3A_134 = arith.muli %scan3A_101, %mul3A_133 : i32
        %add3A_135 = arith.constant 32 : i32
        %add3A_136 = arith.addi %mul3A_134, %add3A_135 : i32
        %get3A_137 = arith.index_cast %add3A_136 : i32 to index
        %get3A_138 = tpu.vector_load %arg4[%get3A_137] {strides = array<i32>} : memref<1024xf32, #tpu.memory_space<vmem>>, vector<16xf32>,
        %get3A_139 = vector.shape_cast %get3A_138 : vector<16xf32> to vector<16xf32>
        %bitcast_convert_type3A_140 = tpu.bitcast %get3A_139 : vector<16xf32> -> vector<16xi32>
        %shift_right_logical3A_141 = arith.constant 16 : i32
        %shift_right_logical3A_142 = vector.broadcast %shift_right_logical3A_141 : i32 to vector<16xi32>
        %shift_right_logical3A_143 = arith.shrui %bitcast_convert_type3A_140, %shift_right_logical3A_142 : vector<16xi32>
        %add3A_144 = vector.broadcast %mul3A_79 : i32 to vector<16xi32>
        %add3A_145 = arith.addi %shift_right_logical3A_143, %add3A_144 : vector<16xi32>
        %swap3A_146 = arith.constant 32 : index
        %swap3A_147 = tpu.vector_load %arg5[%swap3A_146] {strides = array<i32>} : memref<128xi32, #tpu.memory_space<vmem>>, vector<16xi32>,
        %swap3A_148 = vector.shape_cast %swap3A_147 : vector<16xi32> to vector<16xi32>
        %swap3A_149 = vector.shape_cast %add3A_145 : vector<16xi32> to vector<16xi32>
        tpu.vector_store %arg5[%swap3A_146], %swap3A_149 {strides = array<i32>} : memref<128xi32, #tpu.memory_space<vmem>>, vector<16xi32>,
        %mul3A_150 = arith.constant 128 : i32
        %mul3A_151 = arith.muli %scan3A_101, %mul3A_150 : i32
        %add3A_152 = arith.constant 48 : i32
        %add3A_153 = arith.addi %mul3A_151, %add3A_152 : i32
        %get3A_154 = arith.index_cast %add3A_153 : i32 to index
        %get3A_155 = tpu.vector_load %arg4[%get3A_154] {strides = array<i32>} : memref<1024xf32, #tpu.memory_space<vmem>>, vector<16xf32>,
        %get3A_156 = vector.shape_cast %get3A_155 : vector<16xf32> to vector<16xf32>
        %bitcast_convert_type3A_157 = tpu.bitcast %get3A_156 : vector<16xf32> -> vector<16xi32>
        %shift_right_logical3A_158 = arith.constant 16 : i32
        %shift_right_logical3A_159 = vector.broadcast %shift_right_logical3A_158 : i32 to vector<16xi32>
        %shift_right_logical3A_160 = arith.shrui %bitcast_convert_type3A_157, %shift_right_logical3A_159 : vector<16xi32>
        %add3A_161 = vector.broadcast %mul3A_79 : i32 to vector<16xi32>
        %add3A_162 = arith.addi %shift_right_logical3A_160, %add3A_161 : vector<16xi32>
        %swap3A_163 = arith.constant 48 : index
        %swap3A_164 = tpu.vector_load %arg5[%swap3A_163] {strides = array<i32>} : memref<128xi32, #tpu.memory_space<vmem>>, vector<16xi32>,
        %swap3A_165 = vector.shape_cast %swap3A_164 : vector<16xi32> to vector<16xi32>
        %swap3A_166 = vector.shape_cast %add3A_162 : vector<16xi32> to vector<16xi32>
        tpu.vector_store %arg5[%swap3A_163], %swap3A_166 {strides = array<i32>} : memref<128xi32, #tpu.memory_space<vmem>>, vector<16xi32>,
        %mul3A_167 = arith.constant 128 : i32
        %mul3A_168 = arith.muli %scan3A_101, %mul3A_167 : i32
        %add3A_169 = arith.constant 64 : i32
        %add3A_170 = arith.addi %mul3A_168, %add3A_169 : i32
        %get3A_171 = arith.index_cast %add3A_170 : i32 to index
        %get3A_172 = tpu.vector_load %arg4[%get3A_171] {strides = array<i32>} : memref<1024xf32, #tpu.memory_space<vmem>>, vector<16xf32>,
        %get3A_173 = vector.shape_cast %get3A_172 : vector<16xf32> to vector<16xf32>
        %bitcast_convert_type3A_174 = tpu.bitcast %get3A_173 : vector<16xf32> -> vector<16xi32>
        %shift_right_logical3A_175 = arith.constant 16 : i32
        %shift_right_logical3A_176 = vector.broadcast %shift_right_logical3A_175 : i32 to vector<16xi32>
        %shift_right_logical3A_177 = arith.shrui %bitcast_convert_type3A_174, %shift_right_logical3A_176 : vector<16xi32>
        %add3A_178 = vector.broadcast %mul3A_79 : i32 to vector<16xi32>
        %add3A_179 = arith.addi %shift_right_logical3A_177, %add3A_178 : vector<16xi32>
        %swap3A_180 = arith.constant 64 : index
        %swap3A_181 = tpu.vector_load %arg5[%swap3A_180] {strides = array<i32>} : memref<128xi32, #tpu.memory_space<vmem>>, vector<16xi32>,
        %swap3A_182 = vector.shape_cast %swap3A_181 : vector<16xi32> to vector<16xi32>
        %swap3A_183 = vector.shape_cast %add3A_179 : vector<16xi32> to vector<16xi32>
        tpu.vector_store %arg5[%swap3A_180], %swap3A_183 {strides = array<i32>} : memref<128xi32, #tpu.memory_space<vmem>>, vector<16xi32>,
        %mul3A_184 = arith.constant 128 : i32
        %mul3A_185 = arith.muli %scan3A_101, %mul3A_184 : i32
        %add3A_186 = arith.constant 80 : i32
        %add3A_187 = arith.addi %mul3A_185, %add3A_186 : i32
        %get3A_188 = arith.index_cast %add3A_187 : i32 to index
        %get3A_189 = tpu.vector_load %arg4[%get3A_188] {strides = array<i32>} : memref<1024xf32, #tpu.memory_space<vmem>>, vector<16xf32>,
        %get3A_190 = vector.shape_cast %get3A_189 : vector<16xf32> to vector<16xf32>
        %bitcast_convert_type3A_191 = tpu.bitcast %get3A_190 : vector<16xf32> -> vector<16xi32>
        %shift_right_logical3A_192 = arith.constant 16 : i32
        %shift_right_logical3A_193 = vector.broadcast %shift_right_logical3A_192 : i32 to vector<16xi32>
        %shift_right_logical3A_194 = arith.shrui %bitcast_convert_type3A_191, %shift_right_logical3A_193 : vector<16xi32>
        %add3A_195 = vector.broadcast %mul3A_79 : i32 to vector<16xi32>
        %add3A_196 = arith.addi %shift_right_logical3A_194, %add3A_195 : vector<16xi32>
        %swap3A_197 = arith.constant 80 : index
        %swap3A_198 = tpu.vector_load %arg5[%swap3A_197] {strides = array<i32>} : memref<128xi32, #tpu.memory_space<vmem>>, vector<16xi32>,
        %swap3A_199 = vector.shape_cast %swap3A_198 : vector<16xi32> to vector<16xi32>
        %swap3A_200 = vector.shape_cast %add3A_196 : vector<16xi32> to vector<16xi32>
        tpu.vector_store %arg5[%swap3A_197], %swap3A_200 {strides = array<i32>} : memref<128xi32, #tpu.memory_space<vmem>>, vector<16xi32>,
        %mul3A_201 = arith.constant 128 : i32
        %mul3A_202 = arith.muli %scan3A_101, %mul3A_201 : i32
        %add3A_203 = arith.constant 96 : i32
        %add3A_204 = arith.addi %mul3A_202, %add3A_203 : i32
        %get3A_205 = arith.index_cast %add3A_204 : i32 to index
        %get3A_206 = tpu.vector_load %arg4[%get3A_205] {strides = array<i32>} : memref<1024xf32, #tpu.memory_space<vmem>>, vector<16xf32>,
        %get3A_207 = vector.shape_cast %get3A_206 : vector<16xf32> to vector<16xf32>
        %bitcast_convert_type3A_208 = tpu.bitcast %get3A_207 : vector<16xf32> -> vector<16xi32>
        %shift_right_logical3A_209 = arith.constant 16 : i32
        %shift_right_logical3A_210 = vector.broadcast %shift_right_logical3A_209 : i32 to vector<16xi32>
        %shift_right_logical3A_211 = arith.shrui %bitcast_convert_type3A_208, %shift_right_logical3A_210 : vector<16xi32>
        %add3A_212 = vector.broadcast %mul3A_79 : i32 to vector<16xi32>
        %add3A_213 = arith.addi %shift_right_logical3A_211, %add3A_212 : vector<16xi32>
        %swap3A_214 = arith.constant 96 : index
        %swap3A_215 = tpu.vector_load %arg5[%swap3A_214] {strides = array<i32>} : memref<128xi32, #tpu.memory_space<vmem>>, vector<16xi32>,
        %swap3A_216 = vector.shape_cast %swap3A_215 : vector<16xi32> to vector<16xi32>
        %swap3A_217 = vector.shape_cast %add3A_213 : vector<16xi32> to vector<16xi32>
        tpu.vector_store %arg5[%swap3A_214], %swap3A_217 {strides = array<i32>} : memref<128xi32, #tpu.memory_space<vmem>>, vector<16xi32>,
        %mul3A_218 = arith.constant 128 : i32
        %mul3A_219 = arith.muli %scan3A_101, %mul3A_218 : i32
        %add3A_220 = arith.constant 112 : i32
        %add3A_221 = arith.addi %mul3A_219, %add3A_220 : i32
        %get3A_222 = arith.index_cast %add3A_221 : i32 to index
        %get3A_223 = tpu.vector_load %arg4[%get3A_222] {strides = array<i32>} : memref<1024xf32, #tpu.memory_space<vmem>>, vector<16xf32>,
        %get3A_224 = vector.shape_cast %get3A_223 : vector<16xf32> to vector<16xf32>
        %bitcast_convert_type3A_225 = tpu.bitcast %get3A_224 : vector<16xf32> -> vector<16xi32>
        %shift_right_logical3A_226 = arith.constant 16 : i32
        %shift_right_logical3A_227 = vector.broadcast %shift_right_logical3A_226 : i32 to vector<16xi32>
        %shift_right_logical3A_228 = arith.shrui %bitcast_convert_type3A_225, %shift_right_logical3A_227 : vector<16xi32>
        %add3A_229 = vector.broadcast %mul3A_79 : i32 to vector<16xi32>
        %add3A_230 = arith.addi %shift_right_logical3A_228, %add3A_229 : vector<16xi32>
        %swap3A_231 = arith.constant 112 : index
        %swap3A_232 = tpu.vector_load %arg5[%swap3A_231] {strides = array<i32>} : memref<128xi32, #tpu.memory_space<vmem>>, vector<16xi32>,
        %swap3A_233 = vector.shape_cast %swap3A_232 : vector<16xi32> to vector<16xi32>
        %swap3A_234 = vector.shape_cast %add3A_230 : vector<16xi32> to vector<16xi32>
        tpu.vector_store %arg5[%swap3A_231], %swap3A_234 {strides = array<i32>} : memref<128xi32, #tpu.memory_space<vmem>>, vector<16xi32>,
        "tpu.region"() ({
          %run_scoped3A = tpu.sem_alloc : memref<!tpu.dma_semaphore, #tpu.memory_space<semaphore_mem>>
          %dma_start3A = arith.constant 0 : i32
          %dma_start3A_235 = tpu.memref_slice %arg8[%dma_start3A] : memref<131072xf32, #tpu.memory_space<vmem_shared>> -> memref<131072xf32, #tpu.memory_space<vmem_shared>>
          tpu.enqueue_indirect_dma source(%arg6 : memref<128xf32, #tpu.memory_space<vmem>>) target(%dma_start3A_235 : memref<131072xf32, #tpu.memory_space<vmem_shared>>) offsets(%arg5 : memref<128xi32, #tpu.memory_space<vmem>>) semaphore(%run_scoped3A : memref<!tpu.dma_semaphore, #tpu.memory_space<semaphore_mem>>) {add = true}
          %dma_wait3A = arith.constant 0 : i32
          %dma_wait3A_236 = tpu.memref_slice %arg8[%dma_wait3A] : memref<131072xf32, #tpu.memory_space<vmem_shared>> -> memref<131072xf32, #tpu.memory_space<vmem_shared>>
          tpu.wait_indirect_dma semaphore(%run_scoped3A : memref<!tpu.dma_semaphore, #tpu.memory_space<semaphore_mem>>) src(%arg6 : memref<128xf32, #tpu.memory_space<vmem>>) dst(%dma_wait3A_236 : memref<131072xf32, #tpu.memory_space<vmem_shared>>)
          tpu.yield
        }) : () -> ()
      }
      %scan3A_100 = arith.constant 8 : i32
    }
    %scan3A_85 = arith.constant 9 : i32
    %barrier3A_86 = arith.constant 0 : index
    tpu.barrier barrier_id(%barrier3A_86)
    %mul3A_87 = arith.constant 8192 : i32
    %mul3A_88 = arith.muli %arg1, %mul3A_87 : i32
    %mul3A_89 = arith.constant 8192 : i32
    %mul3A_90 = arith.muli %select_n3A_28, %mul3A_89 : i32
    "tpu.region"() ({
      %run_scoped3A = tpu.sem_alloc : memref<!tpu.dma_semaphore, #tpu.memory_space<semaphore_mem>>
      %dma_start3A = tpu.memref_slice %arg3[%add3A_30, %mul3A_90] : memref<8x32768xf32, #tpu.memory_space<hbm>> -> memref<1x8192xf32, #tpu.memory_space<hbm>>
      %dma_start3A_91 = tpu.memref_squeeze %dma_start3A : memref<1x8192xf32, #tpu.memory_space<hbm>> -> memref<8192xf32, #tpu.memory_space<hbm>>
      %dma_start3A_92 = tpu.memref_slice %arg8[%mul3A_88] : memref<131072xf32, #tpu.memory_space<vmem_shared>> -> memref<8192xf32, #tpu.memory_space<vmem_shared>>
      tpu.enqueue_dma source(%dma_start3A_92 : memref<8192xf32, #tpu.memory_space<vmem_shared>>) target(%dma_start3A_91 : memref<8192xf32, #tpu.memory_space<hbm>>) target_semaphore(%run_scoped3A : memref<!tpu.dma_semaphore, #tpu.memory_space<semaphore_mem>>)
      %dma_wait3A = tpu.memref_slice %arg3[%add3A_30, %mul3A_90] : memref<8x32768xf32, #tpu.memory_space<hbm>> -> memref<1x8192xf32, #tpu.memory_space<hbm>>
      %dma_wait3A_93 = tpu.memref_squeeze %dma_wait3A : memref<1x8192xf32, #tpu.memory_space<hbm>> -> memref<8192xf32, #tpu.memory_space<hbm>>
      %dma_wait3A_94 = tpu.memref_slice %arg8[%mul3A_88] : memref<131072xf32, #tpu.memory_space<vmem_shared>> -> memref<8192xf32, #tpu.memory_space<vmem_shared>>
      tpu.wait_dma2 semaphore(%run_scoped3A : memref<!tpu.dma_semaphore, #tpu.memory_space<semaphore_mem>>) src(%dma_wait3A_94 : memref<8192xf32, #tpu.memory_space<vmem_shared>>) dst(%dma_wait3A_93 : memref<8192xf32, #tpu.memory_space<hbm>>)
      tpu.yield
    }) : () -> ()
    return
  }
}

#map = affine_map<(d0, d1) -> (0, 0)>
module attributes {stable_mosaic.version = 14 : i64} {
  func.func @_hist_body(%arg0: i32, %arg1: i32, %arg2: memref<8x36864xf32, #tpu.memory_space<hbm>>, %arg3: memref<8x32768xf32, #tpu.memory_space<hbm>>, %arg4: memref<1024xf32, #tpu.memory_space<vmem>>, %arg5: memref<128xi32, #tpu.memory_space<vmem>>, %arg6: memref<128xf32, #tpu.memory_space<vmem>>, %arg7: memref<1024xf32, #tpu.memory_space<vmem>>, %arg8: memref<131072xf32, #tpu.memory_space<vmem_shared>>) attributes {dimension_semantics = [#tpu.dimension_semantics<core_parallel>, #tpu.dimension_semantics<subcore_parallel>], iteration_bounds = array<i64: 2, 16>, scalar_prefetch = 0 : i64, scratch_operands = 5 : i64, tpu.core_type = #tpu.core_type<sc_vector_subcore>, window_params = [{transform_indices = #map}, {transform_indices = #map}]} {
    %jit3A = arith.constant 4 : i32
    %div3A = arith.divsi %arg1, %jit3A : i32
    %sign3A = arith.constant 0 : i32
    %sign3A_0 = arith.cmpi sgt, %arg1, %sign3A : i32
    %sign3A_1 = arith.extui %sign3A_0 : i1 to i32
    %sign3A_2 = arith.constant 0 : i32
    %sign3A_3 = arith.cmpi slt, %arg1, %sign3A_2 : i32
    %sign3A_4 = arith.extui %sign3A_3 : i1 to i32
    %sign3A_5 = arith.subi %sign3A_1, %sign3A_4 : i32
    %sign3A_6 = arith.constant 0 : i32
    %sign3A_7 = arith.cmpi sgt, %jit3A, %sign3A_6 : i32
    %sign3A_8 = arith.extui %sign3A_7 : i1 to i32
    %sign3A_9 = arith.constant 0 : i32
    %sign3A_10 = arith.cmpi slt, %jit3A, %sign3A_9 : i32
    %sign3A_11 = arith.extui %sign3A_10 : i1 to i32
    %sign3A_12 = arith.subi %sign3A_8, %sign3A_11 : i32
    %ne3A = arith.cmpi ne, %sign3A_5, %sign3A_12 : i32
    %rem3A = arith.remsi %arg1, %jit3A : i32
    %ne3A_13 = arith.constant 0 : i32
    %ne3A_14 = arith.cmpi ne, %rem3A, %ne3A_13 : i32
    %and3A = arith.andi %ne3A, %ne3A_14 : i1
    %sub3A = arith.constant 1 : i32
    %sub3A_15 = arith.subi %div3A, %sub3A : i32
    %select_n3A = arith.select %and3A, %sub3A_15, %div3A : i32
    %jit3A_16 = arith.constant 4 : i32
    %eq3A = arith.constant 0 : i32
    %eq3A_17 = arith.cmpi eq, %jit3A_16, %eq3A : i32
    %jit3A_18 = arith.constant 1 : i32
    %select_n3A_19 = arith.select %eq3A_17, %jit3A_18, %jit3A_16 : i32
    %rem3A_20 = arith.remsi %arg1, %select_n3A_19 : i32
    %ne3A_21 = arith.constant 0 : i32
    %ne3A_22 = arith.cmpi ne, %rem3A_20, %ne3A_21 : i32
    %lt3A = arith.constant 0 : i32
    %lt3A_23 = arith.cmpi slt, %rem3A_20, %lt3A : i32
    %lt3A_24 = arith.constant 0 : i32
    %lt3A_25 = arith.cmpi slt, %select_n3A_19, %lt3A_24 : i32
    %ne3A_26 = arith.xori %lt3A_23, %lt3A_25 : i1
    %and3A_27 = arith.andi %ne3A_26, %ne3A_22 : i1
    %add3A = arith.addi %rem3A_20, %select_n3A_19 : i32
    %select_n3A_28 = arith.select %and3A_27, %add3A, %rem3A_20 : i32
    %mul3A = arith.constant 4 : i32
    %mul3A_29 = arith.muli %arg0, %mul3A : i32
    %add3A_30 = arith.addi %mul3A_29, %select_n3A : i32
    %broadcast_in_dim3A = arith.constant 0.000000e+00 : f32
    %broadcast_in_dim3A_31 = vector.broadcast %broadcast_in_dim3A : f32 to vector<16xf32>
    %scan3A = arith.constant 0 : i32
    %scan3A_32 = arith.constant 0 : i32
    %scan3A_33 = arith.constant 64 : i32
    %scan3A_34 = arith.addi %scan3A_32, %scan3A_33 : i32
    %scan3A_35 = arith.constant 1 : i32
    scf.for %scan3A_91 = %scan3A_32 to %scan3A_34 step %scan3A_35  : i32 {
      %mul3A_92 = arith.constant 16 : i32
      %mul3A_93 = arith.muli %scan3A_91, %mul3A_92 : i32
      %swap3A_94 = arith.index_cast %mul3A_93 : i32 to index
      %swap3A_95 = tpu.vector_load %arg7[%swap3A_94] {strides = array<i32>} : memref<1024xf32, #tpu.memory_space<vmem>>, vector<16xf32>,
      %swap3A_96 = vector.shape_cast %swap3A_95 : vector<16xf32> to vector<16xf32>
      %swap3A_97 = vector.shape_cast %broadcast_in_dim3A_31 : vector<16xf32> to vector<16xf32>
      tpu.vector_store %arg7[%swap3A_94], %swap3A_97 {strides = array<i32>} : memref<1024xf32, #tpu.memory_space<vmem>>, vector<16xf32>,
    }
    %scan3A_36 = arith.constant 64 : i32
    %scan3A_37 = arith.constant 0 : i32
    %scan3A_38 = arith.constant 0 : i32
    %scan3A_39 = arith.constant 8 : i32
    %scan3A_40 = arith.addi %scan3A_38, %scan3A_39 : i32
    %scan3A_41 = arith.constant 1 : i32
    scf.for %scan3A_91 = %scan3A_38 to %scan3A_40 step %scan3A_41  : i32 {
      %mul3A_92 = arith.constant 8192 : i32
      %mul3A_93 = arith.muli %arg1, %mul3A_92 : i32
      %mul3A_94 = arith.constant 1024 : i32
      %mul3A_95 = arith.muli %scan3A_91, %mul3A_94 : i32
      %add3A_96 = arith.addi %mul3A_93, %mul3A_95 : i32
      "tpu.region"() ({
        %run_scoped3A = tpu.sem_alloc : memref<!tpu.dma_semaphore, #tpu.memory_space<semaphore_mem>>
        %dma_start3A = tpu.memref_slice %arg8[%add3A_96] : memref<131072xf32, #tpu.memory_space<vmem_shared>> -> memref<1024xf32, #tpu.memory_space<vmem_shared>>
        %dma_start3A_97 = tpu.memref_slice %arg8[%add3A_96] : memref<131072xf32, #tpu.memory_space<vmem_shared>> -> memref<1024xf32, #tpu.memory_space<vmem_shared>>
        tpu.enqueue_dma source(%arg7 : memref<1024xf32, #tpu.memory_space<vmem>>) target(%dma_start3A_97 : memref<1024xf32, #tpu.memory_space<vmem_shared>>) target_semaphore(%run_scoped3A : memref<!tpu.dma_semaphore, #tpu.memory_space<semaphore_mem>>)
        %dma_wait3A = tpu.memref_slice %arg8[%add3A_96] : memref<131072xf32, #tpu.memory_space<vmem_shared>> -> memref<1024xf32, #tpu.memory_space<vmem_shared>>
        %dma_wait3A_98 = tpu.memref_slice %arg8[%add3A_96] : memref<131072xf32, #tpu.memory_space<vmem_shared>> -> memref<1024xf32, #tpu.memory_space<vmem_shared>>
        tpu.wait_dma2 semaphore(%run_scoped3A : memref<!tpu.dma_semaphore, #tpu.memory_space<semaphore_mem>>) src(%arg7 : memref<1024xf32, #tpu.memory_space<vmem>>) dst(%dma_wait3A_98 : memref<1024xf32, #tpu.memory_space<vmem_shared>>)
        tpu.yield
      }) : () -> ()
    }
    %scan3A_42 = arith.constant 8 : i32
    %broadcast_in_dim3A_43 = arith.constant 1.000000e+00 : f32
    %broadcast_in_dim3A_44 = vector.broadcast %broadcast_in_dim3A_43 : f32 to vector<16xf32>
    %swap3A = arith.constant 0 : index
    %swap3A_45 = tpu.vector_load %arg6[%swap3A] {strides = array<i32>} : memref<128xf32, #tpu.memory_space<vmem>>, vector<16xf32>,
    %swap3A_46 = vector.shape_cast %swap3A_45 : vector<16xf32> to vector<16xf32>
    %swap3A_47 = vector.shape_cast %broadcast_in_dim3A_44 : vector<16xf32> to vector<16xf32>
    tpu.vector_store %arg6[%swap3A], %swap3A_47 {strides = array<i32>} : memref<128xf32, #tpu.memory_space<vmem>>, vector<16xf32>,
    %swap3A_48 = arith.constant 16 : index
    %swap3A_49 = tpu.vector_load %arg6[%swap3A_48] {strides = array<i32>} : memref<128xf32, #tpu.memory_space<vmem>>, vector<16xf32>,
    %swap3A_50 = vector.shape_cast %swap3A_49 : vector<16xf32> to vector<16xf32>
    %swap3A_51 = vector.shape_cast %broadcast_in_dim3A_44 : vector<16xf32> to vector<16xf32>
    tpu.vector_store %arg6[%swap3A_48], %swap3A_51 {strides = array<i32>} : memref<128xf32, #tpu.memory_space<vmem>>, vector<16xf32>,
    %swap3A_52 = arith.constant 32 : index
    %swap3A_53 = tpu.vector_load %arg6[%swap3A_52] {strides = array<i32>} : memref<128xf32, #tpu.memory_space<vmem>>, vector<16xf32>,
    %swap3A_54 = vector.shape_cast %swap3A_53 : vector<16xf32> to vector<16xf32>
    %swap3A_55 = vector.shape_cast %broadcast_in_dim3A_44 : vector<16xf32> to vector<16xf32>
    tpu.vector_store %arg6[%swap3A_52], %swap3A_55 {strides = array<i32>} : memref<128xf32, #tpu.memory_space<vmem>>, vector<16xf32>,
    %swap3A_56 = arith.constant 48 : index
    %swap3A_57 = tpu.vector_load %arg6[%swap3A_56] {strides = array<i32>} : memref<128xf32, #tpu.memory_space<vmem>>, vector<16xf32>,
    %swap3A_58 = vector.shape_cast %swap3A_57 : vector<16xf32> to vector<16xf32>
    %swap3A_59 = vector.shape_cast %broadcast_in_dim3A_44 : vector<16xf32> to vector<16xf32>
    tpu.vector_store %arg6[%swap3A_56], %swap3A_59 {strides = array<i32>} : memref<128xf32, #tpu.memory_space<vmem>>, vector<16xf32>,
    %swap3A_60 = arith.constant 64 : index
    %swap3A_61 = tpu.vector_load %arg6[%swap3A_60] {strides = array<i32>} : memref<128xf32, #tpu.memory_space<vmem>>, vector<16xf32>,
    %swap3A_62 = vector.shape_cast %swap3A_61 : vector<16xf32> to vector<16xf32>
    %swap3A_63 = vector.shape_cast %broadcast_in_dim3A_44 : vector<16xf32> to vector<16xf32>
    tpu.vector_store %arg6[%swap3A_60], %swap3A_63 {strides = array<i32>} : memref<128xf32, #tpu.memory_space<vmem>>, vector<16xf32>,
    %swap3A_64 = arith.constant 80 : index
    %swap3A_65 = tpu.vector_load %arg6[%swap3A_64] {strides = array<i32>} : memref<128xf32, #tpu.memory_space<vmem>>, vector<16xf32>,
    %swap3A_66 = vector.shape_cast %swap3A_65 : vector<16xf32> to vector<16xf32>
    %swap3A_67 = vector.shape_cast %broadcast_in_dim3A_44 : vector<16xf32> to vector<16xf32>
    tpu.vector_store %arg6[%swap3A_64], %swap3A_67 {strides = array<i32>} : memref<128xf32, #tpu.memory_space<vmem>>, vector<16xf32>,
    %swap3A_68 = arith.constant 96 : index
    %swap3A_69 = tpu.vector_load %arg6[%swap3A_68] {strides = array<i32>} : memref<128xf32, #tpu.memory_space<vmem>>, vector<16xf32>,
    %swap3A_70 = vector.shape_cast %swap3A_69 : vector<16xf32> to vector<16xf32>
    %swap3A_71 = vector.shape_cast %broadcast_in_dim3A_44 : vector<16xf32> to vector<16xf32>
    tpu.vector_store %arg6[%swap3A_68], %swap3A_71 {strides = array<i32>} : memref<128xf32, #tpu.memory_space<vmem>>, vector<16xf32>,
    %swap3A_72 = arith.constant 112 : index
    %swap3A_73 = tpu.vector_load %arg6[%swap3A_72] {strides = array<i32>} : memref<128xf32, #tpu.memory_space<vmem>>, vector<16xf32>,
    %swap3A_74 = vector.shape_cast %swap3A_73 : vector<16xf32> to vector<16xf32>
    %swap3A_75 = vector.shape_cast %broadcast_in_dim3A_44 : vector<16xf32> to vector<16xf32>
    tpu.vector_store %arg6[%swap3A_72], %swap3A_75 {strides = array<i32>} : memref<128xf32, #tpu.memory_space<vmem>>, vector<16xf32>,
    %barrier3A = arith.constant 0 : index
    tpu.barrier barrier_id(%barrier3A)
    %mul3A_76 = arith.constant 9216 : i32
    %mul3A_77 = arith.muli %select_n3A_28, %mul3A_76 : i32
    %mul3A_78 = arith.constant 32768 : i32
    %mul3A_79 = arith.muli %select_n3A, %mul3A_78 : i32
    %scan3A_80 = arith.constant 0 : i32
    %scan3A_81 = arith.constant 0 : i32
    %scan3A_82 = arith.constant 9 : i32
    %scan3A_83 = arith.addi %scan3A_81, %scan3A_82 : i32
    %scan3A_84 = arith.constant 1 : i32
    scf.for %scan3A_91 = %scan3A_81 to %scan3A_83 step %scan3A_84  : i32 {
      %mul3A_92 = arith.constant 1024 : i32
      %mul3A_93 = arith.muli %scan3A_91, %mul3A_92 : i32
      %add3A_94 = arith.addi %mul3A_77, %mul3A_93 : i32
      "tpu.region"() ({
        %run_scoped3A = tpu.sem_alloc : memref<!tpu.dma_semaphore, #tpu.memory_space<semaphore_mem>>
        %dma_start3A = tpu.memref_slice %arg2[%add3A_30, %add3A_94] : memref<8x36864xf32, #tpu.memory_space<hbm>> -> memref<1x1024xf32, #tpu.memory_space<hbm>>
        %dma_start3A_101 = tpu.memref_squeeze %dma_start3A : memref<1x1024xf32, #tpu.memory_space<hbm>> -> memref<1024xf32, #tpu.memory_space<hbm>>
        %dma_start3A_102 = tpu.memref_slice %arg2[%add3A_30, %add3A_94] : memref<8x36864xf32, #tpu.memory_space<hbm>> -> memref<1x1024xf32, #tpu.memory_space<hbm>>
        %dma_start3A_103 = tpu.memref_squeeze %dma_start3A_102 : memref<1x1024xf32, #tpu.memory_space<hbm>> -> memref<1024xf32, #tpu.memory_space<hbm>>
        tpu.enqueue_dma source(%dma_start3A_103 : memref<1024xf32, #tpu.memory_space<hbm>>) target(%arg4 : memref<1024xf32, #tpu.memory_space<vmem>>) target_semaphore(%run_scoped3A : memref<!tpu.dma_semaphore, #tpu.memory_space<semaphore_mem>>)
        %dma_wait3A = tpu.memref_slice %arg2[%add3A_30, %add3A_94] : memref<8x36864xf32, #tpu.memory_space<hbm>> -> memref<1x1024xf32, #tpu.memory_space<hbm>>
        %dma_wait3A_104 = tpu.memref_squeeze %dma_wait3A : memref<1x1024xf32, #tpu.memory_space<hbm>> -> memref<1024xf32, #tpu.memory_space<hbm>>
        %dma_wait3A_105 = tpu.memref_slice %arg2[%add3A_30, %add3A_94] : memref<8x36864xf32, #tpu.memory_space<hbm>> -> memref<1x1024xf32, #tpu.memory_space<hbm>>
        %dma_wait3A_106 = tpu.memref_squeeze %dma_wait3A_105 : memref<1x1024xf32, #tpu.memory_space<hbm>> -> memref<1024xf32, #tpu.memory_space<hbm>>
        tpu.wait_dma2 semaphore(%run_scoped3A : memref<!tpu.dma_semaphore, #tpu.memory_space<semaphore_mem>>) src(%dma_wait3A_106 : memref<1024xf32, #tpu.memory_space<hbm>>) dst(%arg4 : memref<1024xf32, #tpu.memory_space<vmem>>)
        tpu.yield
      }) : () -> ()
      %scan3A_95 = arith.constant 0 : i32
      %scan3A_96 = arith.constant 0 : i32
      %scan3A_97 = arith.constant 8 : i32
      %scan3A_98 = arith.addi %scan3A_96, %scan3A_97 : i32
      %scan3A_99 = arith.constant 1 : i32
      scf.for %scan3A_101 = %scan3A_96 to %scan3A_98 step %scan3A_99  : i32 {
        %mul3A_102 = arith.constant 128 : i32
        %mul3A_103 = arith.muli %scan3A_101, %mul3A_102 : i32
        %add3A_104 = arith.constant 0 : i32
        %add3A_105 = arith.addi %mul3A_103, %add3A_104 : i32
        %get3A = arith.index_cast %add3A_105 : i32 to index
        %get3A_106 = tpu.vector_load %arg4[%get3A] {strides = array<i32>} : memref<1024xf32, #tpu.memory_space<vmem>>, vector<16xf32>,
        %get3A_107 = vector.shape_cast %get3A_106 : vector<16xf32> to vector<16xf32>
        %bitcast_convert_type3A = tpu.bitcast %get3A_107 : vector<16xf32> -> vector<16xi32>
        %shift_right_logical3A = arith.constant 16 : i32
        %shift_right_logical3A_108 = vector.broadcast %shift_right_logical3A : i32 to vector<16xi32>
        %shift_right_logical3A_109 = arith.shrui %bitcast_convert_type3A, %shift_right_logical3A_108 : vector<16xi32>
        %add3A_110 = vector.broadcast %mul3A_79 : i32 to vector<16xi32>
        %add3A_111 = arith.addi %shift_right_logical3A_109, %add3A_110 : vector<16xi32>
        %swap3A_112 = arith.constant 0 : index
        %swap3A_113 = tpu.vector_load %arg5[%swap3A_112] {strides = array<i32>} : memref<128xi32, #tpu.memory_space<vmem>>, vector<16xi32>,
        %swap3A_114 = vector.shape_cast %swap3A_113 : vector<16xi32> to vector<16xi32>
        %swap3A_115 = vector.shape_cast %add3A_111 : vector<16xi32> to vector<16xi32>
        tpu.vector_store %arg5[%swap3A_112], %swap3A_115 {strides = array<i32>} : memref<128xi32, #tpu.memory_space<vmem>>, vector<16xi32>,
        %mul3A_116 = arith.constant 128 : i32
        %mul3A_117 = arith.muli %scan3A_101, %mul3A_116 : i32
        %add3A_118 = arith.constant 16 : i32
        %add3A_119 = arith.addi %mul3A_117, %add3A_118 : i32
        %get3A_120 = arith.index_cast %add3A_119 : i32 to index
        %get3A_121 = tpu.vector_load %arg4[%get3A_120] {strides = array<i32>} : memref<1024xf32, #tpu.memory_space<vmem>>, vector<16xf32>,
        %get3A_122 = vector.shape_cast %get3A_121 : vector<16xf32> to vector<16xf32>
        %bitcast_convert_type3A_123 = tpu.bitcast %get3A_122 : vector<16xf32> -> vector<16xi32>
        %shift_right_logical3A_124 = arith.constant 16 : i32
        %shift_right_logical3A_125 = vector.broadcast %shift_right_logical3A_124 : i32 to vector<16xi32>
        %shift_right_logical3A_126 = arith.shrui %bitcast_convert_type3A_123, %shift_right_logical3A_125 : vector<16xi32>
        %add3A_127 = vector.broadcast %mul3A_79 : i32 to vector<16xi32>
        %add3A_128 = arith.addi %shift_right_logical3A_126, %add3A_127 : vector<16xi32>
        %swap3A_129 = arith.constant 16 : index
        %swap3A_130 = tpu.vector_load %arg5[%swap3A_129] {strides = array<i32>} : memref<128xi32, #tpu.memory_space<vmem>>, vector<16xi32>,
        %swap3A_131 = vector.shape_cast %swap3A_130 : vector<16xi32> to vector<16xi32>
        %swap3A_132 = vector.shape_cast %add3A_128 : vector<16xi32> to vector<16xi32>
        tpu.vector_store %arg5[%swap3A_129], %swap3A_132 {strides = array<i32>} : memref<128xi32, #tpu.memory_space<vmem>>, vector<16xi32>,
        %mul3A_133 = arith.constant 128 : i32
        %mul3A_134 = arith.muli %scan3A_101, %mul3A_133 : i32
        %add3A_135 = arith.constant 32 : i32
        %add3A_136 = arith.addi %mul3A_134, %add3A_135 : i32
        %get3A_137 = arith.index_cast %add3A_136 : i32 to index
        %get3A_138 = tpu.vector_load %arg4[%get3A_137] {strides = array<i32>} : memref<1024xf32, #tpu.memory_space<vmem>>, vector<16xf32>,
        %get3A_139 = vector.shape_cast %get3A_138 : vector<16xf32> to vector<16xf32>
        %bitcast_convert_type3A_140 = tpu.bitcast %get3A_139 : vector<16xf32> -> vector<16xi32>
        %shift_right_logical3A_141 = arith.constant 16 : i32
        %shift_right_logical3A_142 = vector.broadcast %shift_right_logical3A_141 : i32 to vector<16xi32>
        %shift_right_logical3A_143 = arith.shrui %bitcast_convert_type3A_140, %shift_right_logical3A_142 : vector<16xi32>
        %add3A_144 = vector.broadcast %mul3A_79 : i32 to vector<16xi32>
        %add3A_145 = arith.addi %shift_right_logical3A_143, %add3A_144 : vector<16xi32>
        %swap3A_146 = arith.constant 32 : index
        %swap3A_147 = tpu.vector_load %arg5[%swap3A_146] {strides = array<i32>} : memref<128xi32, #tpu.memory_space<vmem>>, vector<16xi32>,
        %swap3A_148 = vector.shape_cast %swap3A_147 : vector<16xi32> to vector<16xi32>
        %swap3A_149 = vector.shape_cast %add3A_145 : vector<16xi32> to vector<16xi32>
        tpu.vector_store %arg5[%swap3A_146], %swap3A_149 {strides = array<i32>} : memref<128xi32, #tpu.memory_space<vmem>>, vector<16xi32>,
        %mul3A_150 = arith.constant 128 : i32
        %mul3A_151 = arith.muli %scan3A_101, %mul3A_150 : i32
        %add3A_152 = arith.constant 48 : i32
        %add3A_153 = arith.addi %mul3A_151, %add3A_152 : i32
        %get3A_154 = arith.index_cast %add3A_153 : i32 to index
        %get3A_155 = tpu.vector_load %arg4[%get3A_154] {strides = array<i32>} : memref<1024xf32, #tpu.memory_space<vmem>>, vector<16xf32>,
        %get3A_156 = vector.shape_cast %get3A_155 : vector<16xf32> to vector<16xf32>
        %bitcast_convert_type3A_157 = tpu.bitcast %get3A_156 : vector<16xf32> -> vector<16xi32>
        %shift_right_logical3A_158 = arith.constant 16 : i32
        %shift_right_logical3A_159 = vector.broadcast %shift_right_logical3A_158 : i32 to vector<16xi32>
        %shift_right_logical3A_160 = arith.shrui %bitcast_convert_type3A_157, %shift_right_logical3A_159 : vector<16xi32>
        %add3A_161 = vector.broadcast %mul3A_79 : i32 to vector<16xi32>
        %add3A_162 = arith.addi %shift_right_logical3A_160, %add3A_161 : vector<16xi32>
        %swap3A_163 = arith.constant 48 : index
        %swap3A_164 = tpu.vector_load %arg5[%swap3A_163] {strides = array<i32>} : memref<128xi32, #tpu.memory_space<vmem>>, vector<16xi32>,
        %swap3A_165 = vector.shape_cast %swap3A_164 : vector<16xi32> to vector<16xi32>
        %swap3A_166 = vector.shape_cast %add3A_162 : vector<16xi32> to vector<16xi32>
        tpu.vector_store %arg5[%swap3A_163], %swap3A_166 {strides = array<i32>} : memref<128xi32, #tpu.memory_space<vmem>>, vector<16xi32>,
        %mul3A_167 = arith.constant 128 : i32
        %mul3A_168 = arith.muli %scan3A_101, %mul3A_167 : i32
        %add3A_169 = arith.constant 64 : i32
        %add3A_170 = arith.addi %mul3A_168, %add3A_169 : i32
        %get3A_171 = arith.index_cast %add3A_170 : i32 to index
        %get3A_172 = tpu.vector_load %arg4[%get3A_171] {strides = array<i32>} : memref<1024xf32, #tpu.memory_space<vmem>>, vector<16xf32>,
        %get3A_173 = vector.shape_cast %get3A_172 : vector<16xf32> to vector<16xf32>
        %bitcast_convert_type3A_174 = tpu.bitcast %get3A_173 : vector<16xf32> -> vector<16xi32>
        %shift_right_logical3A_175 = arith.constant 16 : i32
        %shift_right_logical3A_176 = vector.broadcast %shift_right_logical3A_175 : i32 to vector<16xi32>
        %shift_right_logical3A_177 = arith.shrui %bitcast_convert_type3A_174, %shift_right_logical3A_176 : vector<16xi32>
        %add3A_178 = vector.broadcast %mul3A_79 : i32 to vector<16xi32>
        %add3A_179 = arith.addi %shift_right_logical3A_177, %add3A_178 : vector<16xi32>
        %swap3A_180 = arith.constant 64 : index
        %swap3A_181 = tpu.vector_load %arg5[%swap3A_180] {strides = array<i32>} : memref<128xi32, #tpu.memory_space<vmem>>, vector<16xi32>,
        %swap3A_182 = vector.shape_cast %swap3A_181 : vector<16xi32> to vector<16xi32>
        %swap3A_183 = vector.shape_cast %add3A_179 : vector<16xi32> to vector<16xi32>
        tpu.vector_store %arg5[%swap3A_180], %swap3A_183 {strides = array<i32>} : memref<128xi32, #tpu.memory_space<vmem>>, vector<16xi32>,
        %mul3A_184 = arith.constant 128 : i32
        %mul3A_185 = arith.muli %scan3A_101, %mul3A_184 : i32
        %add3A_186 = arith.constant 80 : i32
        %add3A_187 = arith.addi %mul3A_185, %add3A_186 : i32
        %get3A_188 = arith.index_cast %add3A_187 : i32 to index
        %get3A_189 = tpu.vector_load %arg4[%get3A_188] {strides = array<i32>} : memref<1024xf32, #tpu.memory_space<vmem>>, vector<16xf32>,
        %get3A_190 = vector.shape_cast %get3A_189 : vector<16xf32> to vector<16xf32>
        %bitcast_convert_type3A_191 = tpu.bitcast %get3A_190 : vector<16xf32> -> vector<16xi32>
        %shift_right_logical3A_192 = arith.constant 16 : i32
        %shift_right_logical3A_193 = vector.broadcast %shift_right_logical3A_192 : i32 to vector<16xi32>
        %shift_right_logical3A_194 = arith.shrui %bitcast_convert_type3A_191, %shift_right_logical3A_193 : vector<16xi32>
        %add3A_195 = vector.broadcast %mul3A_79 : i32 to vector<16xi32>
        %add3A_196 = arith.addi %shift_right_logical3A_194, %add3A_195 : vector<16xi32>
        %swap3A_197 = arith.constant 80 : index
        %swap3A_198 = tpu.vector_load %arg5[%swap3A_197] {strides = array<i32>} : memref<128xi32, #tpu.memory_space<vmem>>, vector<16xi32>,
        %swap3A_199 = vector.shape_cast %swap3A_198 : vector<16xi32> to vector<16xi32>
        %swap3A_200 = vector.shape_cast %add3A_196 : vector<16xi32> to vector<16xi32>
        tpu.vector_store %arg5[%swap3A_197], %swap3A_200 {strides = array<i32>} : memref<128xi32, #tpu.memory_space<vmem>>, vector<16xi32>,
        %mul3A_201 = arith.constant 128 : i32
        %mul3A_202 = arith.muli %scan3A_101, %mul3A_201 : i32
        %add3A_203 = arith.constant 96 : i32
        %add3A_204 = arith.addi %mul3A_202, %add3A_203 : i32
        %get3A_205 = arith.index_cast %add3A_204 : i32 to index
        %get3A_206 = tpu.vector_load %arg4[%get3A_205] {strides = array<i32>} : memref<1024xf32, #tpu.memory_space<vmem>>, vector<16xf32>,
        %get3A_207 = vector.shape_cast %get3A_206 : vector<16xf32> to vector<16xf32>
        %bitcast_convert_type3A_208 = tpu.bitcast %get3A_207 : vector<16xf32> -> vector<16xi32>
        %shift_right_logical3A_209 = arith.constant 16 : i32
        %shift_right_logical3A_210 = vector.broadcast %shift_right_logical3A_209 : i32 to vector<16xi32>
        %shift_right_logical3A_211 = arith.shrui %bitcast_convert_type3A_208, %shift_right_logical3A_210 : vector<16xi32>
        %add3A_212 = vector.broadcast %mul3A_79 : i32 to vector<16xi32>
        %add3A_213 = arith.addi %shift_right_logical3A_211, %add3A_212 : vector<16xi32>
        %swap3A_214 = arith.constant 96 : index
        %swap3A_215 = tpu.vector_load %arg5[%swap3A_214] {strides = array<i32>} : memref<128xi32, #tpu.memory_space<vmem>>, vector<16xi32>,
        %swap3A_216 = vector.shape_cast %swap3A_215 : vector<16xi32> to vector<16xi32>
        %swap3A_217 = vector.shape_cast %add3A_213 : vector<16xi32> to vector<16xi32>
        tpu.vector_store %arg5[%swap3A_214], %swap3A_217 {strides = array<i32>} : memref<128xi32, #tpu.memory_space<vmem>>, vector<16xi32>,
        %mul3A_218 = arith.constant 128 : i32
        %mul3A_219 = arith.muli %scan3A_101, %mul3A_218 : i32
        %add3A_220 = arith.constant 112 : i32
        %add3A_221 = arith.addi %mul3A_219, %add3A_220 : i32
        %get3A_222 = arith.index_cast %add3A_221 : i32 to index
        %get3A_223 = tpu.vector_load %arg4[%get3A_222] {strides = array<i32>} : memref<1024xf32, #tpu.memory_space<vmem>>, vector<16xf32>,
        %get3A_224 = vector.shape_cast %get3A_223 : vector<16xf32> to vector<16xf32>
        %bitcast_convert_type3A_225 = tpu.bitcast %get3A_224 : vector<16xf32> -> vector<16xi32>
        %shift_right_logical3A_226 = arith.constant 16 : i32
        %shift_right_logical3A_227 = vector.broadcast %shift_right_logical3A_226 : i32 to vector<16xi32>
        %shift_right_logical3A_228 = arith.shrui %bitcast_convert_type3A_225, %shift_right_logical3A_227 : vector<16xi32>
        %add3A_229 = vector.broadcast %mul3A_79 : i32 to vector<16xi32>
        %add3A_230 = arith.addi %shift_right_logical3A_228, %add3A_229 : vector<16xi32>
        %swap3A_231 = arith.constant 112 : index
        %swap3A_232 = tpu.vector_load %arg5[%swap3A_231] {strides = array<i32>} : memref<128xi32, #tpu.memory_space<vmem>>, vector<16xi32>,
        %swap3A_233 = vector.shape_cast %swap3A_232 : vector<16xi32> to vector<16xi32>
        %swap3A_234 = vector.shape_cast %add3A_230 : vector<16xi32> to vector<16xi32>
        tpu.vector_store %arg5[%swap3A_231], %swap3A_234 {strides = array<i32>} : memref<128xi32, #tpu.memory_space<vmem>>, vector<16xi32>,
        "tpu.region"() ({
          %run_scoped3A = tpu.sem_alloc : memref<!tpu.dma_semaphore, #tpu.memory_space<semaphore_mem>>
          %dma_start3A = arith.constant 0 : i32
          %dma_start3A_235 = tpu.memref_slice %arg8[%dma_start3A] : memref<131072xf32, #tpu.memory_space<vmem_shared>> -> memref<131072xf32, #tpu.memory_space<vmem_shared>>
          tpu.enqueue_indirect_dma source(%arg6 : memref<128xf32, #tpu.memory_space<vmem>>) target(%dma_start3A_235 : memref<131072xf32, #tpu.memory_space<vmem_shared>>) offsets(%arg5 : memref<128xi32, #tpu.memory_space<vmem>>) semaphore(%run_scoped3A : memref<!tpu.dma_semaphore, #tpu.memory_space<semaphore_mem>>) {add = true}
          %dma_wait3A = arith.constant 0 : i32
          %dma_wait3A_236 = tpu.memref_slice %arg8[%dma_wait3A] : memref<131072xf32, #tpu.memory_space<vmem_shared>> -> memref<131072xf32, #tpu.memory_space<vmem_shared>>
          tpu.wait_indirect_dma semaphore(%run_scoped3A : memref<!tpu.dma_semaphore, #tpu.memory_space<semaphore_mem>>) src(%arg6 : memref<128xf32, #tpu.memory_space<vmem>>) dst(%dma_wait3A_236 : memref<131072xf32, #tpu.memory_space<vmem_shared>>)
          tpu.yield
        }) : () -> ()
      }
      %scan3A_100 = arith.constant 8 : i32
    }
    %scan3A_85 = arith.constant 9 : i32
    %barrier3A_86 = arith.constant 0 : index
    tpu.barrier barrier_id(%barrier3A_86)
    %mul3A_87 = arith.constant 8192 : i32
    %mul3A_88 = arith.muli %arg1, %mul3A_87 : i32
    %mul3A_89 = arith.constant 8192 : i32
    %mul3A_90 = arith.muli %select_n3A_28, %mul3A_89 : i32
    "tpu.region"() ({
      %run_scoped3A = tpu.sem_alloc : memref<!tpu.dma_semaphore, #tpu.memory_space<semaphore_mem>>
      %dma_start3A = tpu.memref_slice %arg3[%add3A_30, %mul3A_90] : memref<8x32768xf32, #tpu.memory_space<hbm>> -> memref<1x8192xf32, #tpu.memory_space<hbm>>
      %dma_start3A_91 = tpu.memref_squeeze %dma_start3A : memref<1x8192xf32, #tpu.memory_space<hbm>> -> memref<8192xf32, #tpu.memory_space<hbm>>
      %dma_start3A_92 = tpu.memref_slice %arg8[%mul3A_88] : memref<131072xf32, #tpu.memory_space<vmem_shared>> -> memref<8192xf32, #tpu.memory_space<vmem_shared>>
      tpu.enqueue_dma source(%dma_start3A_92 : memref<8192xf32, #tpu.memory_space<vmem_shared>>) target(%dma_start3A_91 : memref<8192xf32, #tpu.memory_space<hbm>>) target_semaphore(%run_scoped3A : memref<!tpu.dma_semaphore, #tpu.memory_space<semaphore_mem>>)
      %dma_wait3A = tpu.memref_slice %arg3[%add3A_30, %mul3A_90] : memref<8x32768xf32, #tpu.memory_space<hbm>> -> memref<1x8192xf32, #tpu.memory_space<hbm>>
      %dma_wait3A_93 = tpu.memref_squeeze %dma_wait3A : memref<1x8192xf32, #tpu.memory_space<hbm>> -> memref<8192xf32, #tpu.memory_space<hbm>>
      %dma_wait3A_94 = tpu.memref_slice %arg8[%mul3A_88] : memref<131072xf32, #tpu.memory_space<vmem_shared>> -> memref<8192xf32, #tpu.memory_space<vmem_shared>>
      tpu.wait_dma2 semaphore(%run_scoped3A : memref<!tpu.dma_semaphore, #tpu.memory_space<semaphore_mem>>) src(%dma_wait3A_94 : memref<8192xf32, #tpu.memory_space<vmem_shared>>) dst(%dma_wait3A_93 : memref<8192xf32, #tpu.memory_space<hbm>>)
      tpu.yield
    }) : () -> ()
    return
  }
}

module attributes {stable_mosaic.version = 14 : i64} {
  func.func @_score_body(%arg0: i32, %arg1: memref<8x96x8x384xf32, #tpu.memory_space<vmem>>, %arg2: memref<1x96x1x1xf32, #tpu.memory_space<vmem>>, %arg3: memref<1x1xf32, #tpu.memory_space<vmem>>, %arg4: memref<8x3072xf32, #tpu.memory_space<vmem>>) attributes {dimension_semantics = [#tpu.dimension_semantics<arbitrary>], iteration_bounds = array<i64: 12>, scalar_prefetch = 0 : i64, scratch_operands = 0 : i64, tpu.core_type = #tpu.core_type<tc>, window_params = [{transform_indices = @transform_0, window_bounds = array<i64: 8, 96, 8, 384>}, {pipeline_mode = #tpu.pipeline_mode<synchronous>, transform_indices = @transform_1, window_bounds = array<i64: 1, 96, 1, 1>}, {pipeline_mode = #tpu.pipeline_mode<synchronous>, transform_indices = @transform_2, window_bounds = array<i64: 1, 1>}, {transform_indices = @transform_3, window_bounds = array<i64: 8, 3072>}]} {
    %get3A = arith.constant 0 : index
    %get3A_0 = arith.constant 0 : index
    %get3A_1 = arith.constant 0 : index
    %get3A_2 = arith.constant 0 : index
    %get3A_3 = vector.load %arg1[%get3A, %get3A_0, %get3A_1, %get3A_2] : memref<8x96x8x384xf32, #tpu.memory_space<vmem>>, vector<8x96x8x384xf32>
    %get3A_4 = arith.constant 0 : index
    %get3A_5 = arith.constant 0 : index
    %get3A_6 = arith.constant 0 : index
    %get3A_7 = arith.constant 0 : index
    %get3A_8 = vector.load %arg2[%get3A_4, %get3A_5, %get3A_6, %get3A_7] : memref<1x96x1x1xf32, #tpu.memory_space<vmem>>, vector<1x96x1x1xf32>
    %mul3A = vector.broadcast %get3A_8 : vector<1x96x1x1xf32> to vector<8x96x8x384xf32>
    %mul3A_9 = arith.mulf %get3A_3, %mul3A : vector<8x96x8x384xf32>
    %reduce_sum3A = arith.constant dense<0.000000e+00> : vector<8x8x384xf32>
    %reduce_sum3A_10 = vector.multi_reduction <add>, %mul3A_9, %reduce_sum3A [1] : vector<8x96x8x384xf32> to vector<8x8x384xf32>
    %get3A_11 = arith.constant 0 : index
    %get3A_12 = arith.constant 0 : index
    %get3A_13 = vector.load %arg3[%get3A_11, %get3A_12] : memref<1x1xf32, #tpu.memory_space<vmem>>, vector<1x1xf32>
    %get3A_14 = vector.extract %get3A_13[0, 0] : f32 from vector<1x1xf32>
    %add3A = vector.broadcast %get3A_14 : f32 to vector<8x8x384xf32>
    %add3A_15 = arith.addf %reduce_sum3A_10, %add3A : vector<8x8x384xf32>
    %abs3A = math.absf %add3A_15 : vector<8x8x384xf32>
    %reshape3A = vector.shape_cast %abs3A : vector<8x8x384xf32> to vector<8x3072xf32>
    %swap3A = arith.constant 0 : index
    %swap3A_16 = arith.constant 0 : index
    %swap3A_17 = vector.load %arg4[%swap3A, %swap3A_16] : memref<8x3072xf32, #tpu.memory_space<vmem>>, vector<8x3072xf32>
    tpu.vector_store %arg4[%swap3A, %swap3A_16], %reshape3A {strides = array<i32>} : memref<8x3072xf32, #tpu.memory_space<vmem>>, vector<8x3072xf32>,
    return
  }
  func.func @transform_0(%arg0: i32) -> (i32, i32, i32, i32) {
    %add3A = arith.constant 24 : i32
    %add3A_0 = arith.addi %add3A, %arg0 : i32
    %c0_i32 = arith.constant 0 : i32
    %c0_i32_1 = arith.constant 0 : i32
    %c0_i32_2 = arith.constant 0 : i32
    %c0_i32_3 = arith.constant 0 : i32
    return %c0_i32, %c0_i32_1, %add3A_0, %c0_i32_2 : i32, i32, i32, i32
  }
  func.func @transform_1(%arg0: i32) -> (i32, i32, i32, i32) {
    %c0_i32 = arith.constant 0 : i32
    %c0_i32_0 = arith.constant 0 : i32
    %c0_i32_1 = arith.constant 0 : i32
    %c0_i32_2 = arith.constant 0 : i32
    %c0_i32_3 = arith.constant 0 : i32
    return %c0_i32, %c0_i32_0, %c0_i32_1, %c0_i32_2 : i32, i32, i32, i32
  }
  func.func @transform_2(%arg0: i32) -> (i32, i32) {
    %c0_i32 = arith.constant 0 : i32
    %c0_i32_0 = arith.constant 0 : i32
    %c0_i32_1 = arith.constant 0 : i32
    return %c0_i32, %c0_i32_0 : i32, i32
  }
  func.func @transform_3(%arg0: i32) -> (i32, i32) {
    %c0_i32 = arith.constant 0 : i32
    %c0_i32_0 = arith.constant 0 : i32
    return %c0_i32, %arg0 : i32, i32
  }
}

module attributes {stable_mosaic.version = 14 : i64} {
  func.func @_score_body(%arg0: i32, %arg1: memref<8x96x8x384xf32, #tpu.memory_space<vmem>>, %arg2: memref<1x96x1x1xf32, #tpu.memory_space<vmem>>, %arg3: memref<1x1xf32, #tpu.memory_space<vmem>>, %arg4: memref<8x3072xf32, #tpu.memory_space<vmem>>) attributes {dimension_semantics = [#tpu.dimension_semantics<arbitrary>], iteration_bounds = array<i64: 12>, scalar_prefetch = 0 : i64, scratch_operands = 0 : i64, tpu.core_type = #tpu.core_type<tc>, window_params = [{transform_indices = @transform_0, window_bounds = array<i64: 8, 96, 8, 384>}, {pipeline_mode = #tpu.pipeline_mode<synchronous>, transform_indices = @transform_1, window_bounds = array<i64: 1, 96, 1, 1>}, {pipeline_mode = #tpu.pipeline_mode<synchronous>, transform_indices = @transform_2, window_bounds = array<i64: 1, 1>}, {transform_indices = @transform_3, window_bounds = array<i64: 8, 3072>}]} {
    %get3A = arith.constant 0 : index
    %get3A_0 = arith.constant 0 : index
    %get3A_1 = arith.constant 0 : index
    %get3A_2 = arith.constant 0 : index
    %get3A_3 = vector.load %arg1[%get3A, %get3A_0, %get3A_1, %get3A_2] : memref<8x96x8x384xf32, #tpu.memory_space<vmem>>, vector<8x96x8x384xf32>
    %get3A_4 = arith.constant 0 : index
    %get3A_5 = arith.constant 0 : index
    %get3A_6 = arith.constant 0 : index
    %get3A_7 = arith.constant 0 : index
    %get3A_8 = vector.load %arg2[%get3A_4, %get3A_5, %get3A_6, %get3A_7] : memref<1x96x1x1xf32, #tpu.memory_space<vmem>>, vector<1x96x1x1xf32>
    %mul3A = vector.broadcast %get3A_8 : vector<1x96x1x1xf32> to vector<8x96x8x384xf32>
    %mul3A_9 = arith.mulf %get3A_3, %mul3A : vector<8x96x8x384xf32>
    %reduce_sum3A = arith.constant dense<0.000000e+00> : vector<8x8x384xf32>
    %reduce_sum3A_10 = vector.multi_reduction <add>, %mul3A_9, %reduce_sum3A [1] : vector<8x96x8x384xf32> to vector<8x8x384xf32>
    %get3A_11 = arith.constant 0 : index
    %get3A_12 = arith.constant 0 : index
    %get3A_13 = vector.load %arg3[%get3A_11, %get3A_12] : memref<1x1xf32, #tpu.memory_space<vmem>>, vector<1x1xf32>
    %get3A_14 = vector.extract %get3A_13[0, 0] : f32 from vector<1x1xf32>
    %add3A = vector.broadcast %get3A_14 : f32 to vector<8x8x384xf32>
    %add3A_15 = arith.addf %reduce_sum3A_10, %add3A : vector<8x8x384xf32>
    %abs3A = math.absf %add3A_15 : vector<8x8x384xf32>
    %reshape3A = vector.shape_cast %abs3A : vector<8x8x384xf32> to vector<8x3072xf32>
    %swap3A = arith.constant 0 : index
    %swap3A_16 = arith.constant 0 : index
    %swap3A_17 = vector.load %arg4[%swap3A, %swap3A_16] : memref<8x3072xf32, #tpu.memory_space<vmem>>, vector<8x3072xf32>
    tpu.vector_store %arg4[%swap3A, %swap3A_16], %reshape3A {strides = array<i32>} : memref<8x3072xf32, #tpu.memory_space<vmem>>, vector<8x3072xf32>,
    return
  }
  func.func @transform_0(%arg0: i32) -> (i32, i32, i32, i32) {
    %add3A = arith.constant 12 : i32
    %add3A_0 = arith.addi %add3A, %arg0 : i32
    %c0_i32 = arith.constant 0 : i32
    %c0_i32_1 = arith.constant 0 : i32
    %c0_i32_2 = arith.constant 0 : i32
    %c0_i32_3 = arith.constant 0 : i32
    return %c0_i32, %c0_i32_1, %add3A_0, %c0_i32_2 : i32, i32, i32, i32
  }
  func.func @transform_1(%arg0: i32) -> (i32, i32, i32, i32) {
    %c0_i32 = arith.constant 0 : i32
    %c0_i32_0 = arith.constant 0 : i32
    %c0_i32_1 = arith.constant 0 : i32
    %c0_i32_2 = arith.constant 0 : i32
    %c0_i32_3 = arith.constant 0 : i32
    return %c0_i32, %c0_i32_0, %c0_i32_1, %c0_i32_2 : i32, i32, i32, i32
  }
  func.func @transform_2(%arg0: i32) -> (i32, i32) {
    %c0_i32 = arith.constant 0 : i32
    %c0_i32_0 = arith.constant 0 : i32
    %c0_i32_1 = arith.constant 0 : i32
    return %c0_i32, %c0_i32_0 : i32, i32
  }
  func.func @transform_3(%arg0: i32) -> (i32, i32) {
    %c0_i32 = arith.constant 0 : i32
    %c0_i32_0 = arith.constant 0 : i32
    return %c0_i32, %arg0 : i32, i32
  }
}

module attributes {stable_mosaic.version = 14 : i64} {
  func.func @_score_body(%arg0: i32, %arg1: memref<8x96x8x384xf32, #tpu.memory_space<vmem>>, %arg2: memref<1x96x1x1xf32, #tpu.memory_space<vmem>>, %arg3: memref<1x1xf32, #tpu.memory_space<vmem>>, %arg4: memref<8x3072xf32, #tpu.memory_space<vmem>>) attributes {dimension_semantics = [#tpu.dimension_semantics<arbitrary>], iteration_bounds = array<i64: 12>, scalar_prefetch = 0 : i64, scratch_operands = 0 : i64, tpu.core_type = #tpu.core_type<tc>, window_params = [{transform_indices = @transform_0, window_bounds = array<i64: 8, 96, 8, 384>}, {pipeline_mode = #tpu.pipeline_mode<synchronous>, transform_indices = @transform_1, window_bounds = array<i64: 1, 96, 1, 1>}, {pipeline_mode = #tpu.pipeline_mode<synchronous>, transform_indices = @transform_2, window_bounds = array<i64: 1, 1>}, {transform_indices = @transform_3, window_bounds = array<i64: 8, 3072>}]} {
    %get3A = arith.constant 0 : index
    %get3A_0 = arith.constant 0 : index
    %get3A_1 = arith.constant 0 : index
    %get3A_2 = arith.constant 0 : index
    %get3A_3 = vector.load %arg1[%get3A, %get3A_0, %get3A_1, %get3A_2] : memref<8x96x8x384xf32, #tpu.memory_space<vmem>>, vector<8x96x8x384xf32>
    %get3A_4 = arith.constant 0 : index
    %get3A_5 = arith.constant 0 : index
    %get3A_6 = arith.constant 0 : index
    %get3A_7 = arith.constant 0 : index
    %get3A_8 = vector.load %arg2[%get3A_4, %get3A_5, %get3A_6, %get3A_7] : memref<1x96x1x1xf32, #tpu.memory_space<vmem>>, vector<1x96x1x1xf32>
    %mul3A = vector.broadcast %get3A_8 : vector<1x96x1x1xf32> to vector<8x96x8x384xf32>
    %mul3A_9 = arith.mulf %get3A_3, %mul3A : vector<8x96x8x384xf32>
    %reduce_sum3A = arith.constant dense<0.000000e+00> : vector<8x8x384xf32>
    %reduce_sum3A_10 = vector.multi_reduction <add>, %mul3A_9, %reduce_sum3A [1] : vector<8x96x8x384xf32> to vector<8x8x384xf32>
    %get3A_11 = arith.constant 0 : index
    %get3A_12 = arith.constant 0 : index
    %get3A_13 = vector.load %arg3[%get3A_11, %get3A_12] : memref<1x1xf32, #tpu.memory_space<vmem>>, vector<1x1xf32>
    %get3A_14 = vector.extract %get3A_13[0, 0] : f32 from vector<1x1xf32>
    %add3A = vector.broadcast %get3A_14 : f32 to vector<8x8x384xf32>
    %add3A_15 = arith.addf %reduce_sum3A_10, %add3A : vector<8x8x384xf32>
    %abs3A = math.absf %add3A_15 : vector<8x8x384xf32>
    %reshape3A = vector.shape_cast %abs3A : vector<8x8x384xf32> to vector<8x3072xf32>
    %swap3A = arith.constant 0 : index
    %swap3A_16 = arith.constant 0 : index
    %swap3A_17 = vector.load %arg4[%swap3A, %swap3A_16] : memref<8x3072xf32, #tpu.memory_space<vmem>>, vector<8x3072xf32>
    tpu.vector_store %arg4[%swap3A, %swap3A_16], %reshape3A {strides = array<i32>} : memref<8x3072xf32, #tpu.memory_space<vmem>>, vector<8x3072xf32>,
    return
  }
  func.func @transform_0(%arg0: i32) -> (i32, i32, i32, i32) {
    %add3A = arith.constant 0 : i32
    %add3A_0 = arith.addi %add3A, %arg0 : i32
    %c0_i32 = arith.constant 0 : i32
    %c0_i32_1 = arith.constant 0 : i32
    %c0_i32_2 = arith.constant 0 : i32
    %c0_i32_3 = arith.constant 0 : i32
    return %c0_i32, %c0_i32_1, %add3A_0, %c0_i32_2 : i32, i32, i32, i32
  }
  func.func @transform_1(%arg0: i32) -> (i32, i32, i32, i32) {
    %c0_i32 = arith.constant 0 : i32
    %c0_i32_0 = arith.constant 0 : i32
    %c0_i32_1 = arith.constant 0 : i32
    %c0_i32_2 = arith.constant 0 : i32
    %c0_i32_3 = arith.constant 0 : i32
    return %c0_i32, %c0_i32_0, %c0_i32_1, %c0_i32_2 : i32, i32, i32, i32
  }
  func.func @transform_2(%arg0: i32) -> (i32, i32) {
    %c0_i32 = arith.constant 0 : i32
    %c0_i32_0 = arith.constant 0 : i32
    %c0_i32_1 = arith.constant 0 : i32
    return %c0_i32, %c0_i32_0 : i32, i32
  }
  func.func @transform_3(%arg0: i32) -> (i32, i32) {
    %c0_i32 = arith.constant 0 : i32
    %c0_i32_0 = arith.constant 0 : i32
    return %c0_i32, %arg0 : i32, i32
  }
}

module attributes {stable_mosaic.version = 14 : i64} {
  func.func @_score_body(%arg0: i32, %arg1: memref<8x96x8x384xf32, #tpu.memory_space<vmem>>, %arg2: memref<1x96x1x1xf32, #tpu.memory_space<vmem>>, %arg3: memref<1x1xf32, #tpu.memory_space<vmem>>, %arg4: memref<8x3072xf32, #tpu.memory_space<vmem>>) attributes {dimension_semantics = [#tpu.dimension_semantics<arbitrary>], iteration_bounds = array<i64: 12>, scalar_prefetch = 0 : i64, scratch_operands = 0 : i64, tpu.core_type = #tpu.core_type<tc>, window_params = [{transform_indices = @transform_0, window_bounds = array<i64: 8, 96, 8, 384>}, {pipeline_mode = #tpu.pipeline_mode<synchronous>, transform_indices = @transform_1, window_bounds = array<i64: 1, 96, 1, 1>}, {pipeline_mode = #tpu.pipeline_mode<synchronous>, transform_indices = @transform_2, window_bounds = array<i64: 1, 1>}, {transform_indices = @transform_3, window_bounds = array<i64: 8, 3072>}]} {
    %get3A = arith.constant 0 : index
    %get3A_0 = arith.constant 0 : index
    %get3A_1 = arith.constant 0 : index
    %get3A_2 = arith.constant 0 : index
    %get3A_3 = vector.load %arg1[%get3A, %get3A_0, %get3A_1, %get3A_2] : memref<8x96x8x384xf32, #tpu.memory_space<vmem>>, vector<8x96x8x384xf32>
    %get3A_4 = arith.constant 0 : index
    %get3A_5 = arith.constant 0 : index
    %get3A_6 = arith.constant 0 : index
    %get3A_7 = arith.constant 0 : index
    %get3A_8 = vector.load %arg2[%get3A_4, %get3A_5, %get3A_6, %get3A_7] : memref<1x96x1x1xf32, #tpu.memory_space<vmem>>, vector<1x96x1x1xf32>
    %mul3A = vector.broadcast %get3A_8 : vector<1x96x1x1xf32> to vector<8x96x8x384xf32>
    %mul3A_9 = arith.mulf %get3A_3, %mul3A : vector<8x96x8x384xf32>
    %reduce_sum3A = arith.constant dense<0.000000e+00> : vector<8x8x384xf32>
    %reduce_sum3A_10 = vector.multi_reduction <add>, %mul3A_9, %reduce_sum3A [1] : vector<8x96x8x384xf32> to vector<8x8x384xf32>
    %get3A_11 = arith.constant 0 : index
    %get3A_12 = arith.constant 0 : index
    %get3A_13 = vector.load %arg3[%get3A_11, %get3A_12] : memref<1x1xf32, #tpu.memory_space<vmem>>, vector<1x1xf32>
    %get3A_14 = vector.extract %get3A_13[0, 0] : f32 from vector<1x1xf32>
    %add3A = vector.broadcast %get3A_14 : f32 to vector<8x8x384xf32>
    %add3A_15 = arith.addf %reduce_sum3A_10, %add3A : vector<8x8x384xf32>
    %abs3A = math.absf %add3A_15 : vector<8x8x384xf32>
    %reshape3A = vector.shape_cast %abs3A : vector<8x8x384xf32> to vector<8x3072xf32>
    %swap3A = arith.constant 0 : index
    %swap3A_16 = arith.constant 0 : index
    %swap3A_17 = vector.load %arg4[%swap3A, %swap3A_16] : memref<8x3072xf32, #tpu.memory_space<vmem>>, vector<8x3072xf32>
    tpu.vector_store %arg4[%swap3A, %swap3A_16], %reshape3A {strides = array<i32>} : memref<8x3072xf32, #tpu.memory_space<vmem>>, vector<8x3072xf32>,
    return
  }
  func.func @transform_0(%arg0: i32) -> (i32, i32, i32, i32) {
    %add3A = arith.constant 36 : i32
    %add3A_0 = arith.addi %add3A, %arg0 : i32
    %c0_i32 = arith.constant 0 : i32
    %c0_i32_1 = arith.constant 0 : i32
    %c0_i32_2 = arith.constant 0 : i32
    %c0_i32_3 = arith.constant 0 : i32
    return %c0_i32, %c0_i32_1, %add3A_0, %c0_i32_2 : i32, i32, i32, i32
  }
  func.func @transform_1(%arg0: i32) -> (i32, i32, i32, i32) {
    %c0_i32 = arith.constant 0 : i32
    %c0_i32_0 = arith.constant 0 : i32
    %c0_i32_1 = arith.constant 0 : i32
    %c0_i32_2 = arith.constant 0 : i32
    %c0_i32_3 = arith.constant 0 : i32
    return %c0_i32, %c0_i32_0, %c0_i32_1, %c0_i32_2 : i32, i32, i32, i32
  }
  func.func @transform_2(%arg0: i32) -> (i32, i32) {
    %c0_i32 = arith.constant 0 : i32
    %c0_i32_0 = arith.constant 0 : i32
    %c0_i32_1 = arith.constant 0 : i32
    return %c0_i32, %c0_i32_0 : i32, i32
  }
  func.func @transform_3(%arg0: i32) -> (i32, i32) {
    %c0_i32 = arith.constant 0 : i32
    %c0_i32_0 = arith.constant 0 : i32
    return %c0_i32, %arg0 : i32, i32
  }
}

module attributes {stable_mosaic.version = 14 : i64} {
  func.func @_select_body(%arg0: memref<8x32768xf32, #tpu.memory_space<vmem>>, %arg1: memref<8x32768xf32, #tpu.memory_space<vmem>>, %arg2: memref<8x32768xf32, #tpu.memory_space<vmem>>, %arg3: memref<8x36864xf32, #tpu.memory_space<vmem>>, %arg4: memref<8x36864xf32, #tpu.memory_space<vmem>>, %arg5: memref<8x36864xf32, #tpu.memory_space<vmem>>, %arg6: memref<8x36864xf32, #tpu.memory_space<vmem>>, %arg7: memref<8x1xf32, #tpu.memory_space<vmem>>) attributes {dimension_semantics = [], scalar_prefetch = 0 : i64, scratch_operands = 0 : i64, tpu.core_type = #tpu.core_type<tc>} {
    %get3A = arith.constant 0 : index
    %get3A_0 = arith.constant 0 : index
    %get3A_1 = vector.load %arg0[%get3A, %get3A_0] : memref<8x32768xf32, #tpu.memory_space<vmem>>, vector<8x32768xf32>
    %get3A_2 = arith.constant 0 : index
    %get3A_3 = arith.constant 0 : index
    %get3A_4 = vector.load %arg1[%get3A_2, %get3A_3] : memref<8x32768xf32, #tpu.memory_space<vmem>>, vector<8x32768xf32>
    %add3A = arith.addf %get3A_1, %get3A_4 : vector<8x32768xf32>
    %get3A_5 = arith.constant 0 : index
    %get3A_6 = arith.constant 0 : index
    %get3A_7 = vector.load %arg2[%get3A_5, %get3A_6] : memref<8x32768xf32, #tpu.memory_space<vmem>>, vector<8x32768xf32>
    %add3A_8 = arith.addf %add3A, %get3A_7 : vector<8x32768xf32>
    %iota3A = tpu.iota {dimensions = array<i32: 1>} : vector<8x32768xi32>
    %get3A_9 = arith.constant 0 : index
    %get3A_10 = arith.constant 0 : index
    %get3A_11 = vector.load %arg6[%get3A_9, %get3A_10] : memref<8x36864xf32, #tpu.memory_space<vmem>>, vector<8x36864xf32>
    %bitcast_convert_type3A = tpu.bitcast %get3A_11 : vector<8x36864xf32> -> vector<8x36864xi32>
    %shift_right_logical3A = arith.constant 16 : i32
    %shift_right_logical3A_12 = vector.broadcast %shift_right_logical3A : i32 to vector<8x36864xi32>
    %shift_right_logical3A_13 = arith.shrui %bitcast_convert_type3A, %shift_right_logical3A_12 : vector<8x36864xi32>
    %broadcast_in_dim3A = arith.constant 0 : i32
    %broadcast_in_dim3A_14 = vector.broadcast %broadcast_in_dim3A : i32 to vector<8x1xi32>
    %broadcast_in_dim3A_15 = arith.constant 32767 : i32
    %broadcast_in_dim3A_16 = vector.broadcast %broadcast_in_dim3A_15 : i32 to vector<8x1xi32>
    %scan3A = arith.constant 1.474500e+04 : f32
    %scan3A_17 = arith.constant 0 : i32
    %scan3A_18 = arith.constant 15 : i32
    %scan3A_19 = arith.addi %scan3A_17, %scan3A_18 : i32
    %scan3A_20 = arith.constant 1 : i32
    %scan3A_21:2 = scf.for %scan3A_188 = %scan3A_17 to %scan3A_19 step %scan3A_20 iter_args(%scan3A_189 = %broadcast_in_dim3A_14, %scan3A_190 = %broadcast_in_dim3A_16) -> (vector<8x1xi32>, vector<8x1xi32>)  : i32 {
      %add3A_191 = arith.addi %scan3A_189, %scan3A_190 : vector<8x1xi32>
      %shift_right_arithmetic3A = arith.constant 1 : i32
      %shift_right_arithmetic3A_192 = vector.broadcast %shift_right_arithmetic3A : i32 to vector<8x1xi32>
      %shift_right_arithmetic3A_193 = arith.shrsi %add3A_191, %shift_right_arithmetic3A_192 : vector<8x1xi32>
      %gt3A_194 = vector.broadcast %shift_right_arithmetic3A_193 : vector<8x1xi32> to vector<8x32768xi32>
      %gt3A_195 = arith.cmpi sgt, %iota3A, %gt3A_194 : vector<8x32768xi32>
      %jit3A_196 = arith.constant 0.000000e+00 : f32
      %broadcast_in_dim3A_197 = vector.broadcast %jit3A_196 : f32 to vector<8x32768xf32>
      %select_n3A_198 = arith.select %gt3A_195, %add3A_8, %broadcast_in_dim3A_197 : vector<8x32768xi1>, vector<8x32768xf32>
      %reduce_sum3A_199 = arith.constant dense<0.000000e+00> : vector<8xf32>
      %reduce_sum3A_200 = vector.multi_reduction <add>, %select_n3A_198, %reduce_sum3A_199 [1] : vector<8x32768xf32> to vector<8xf32>
      %broadcast_in_dim3A_201 = vector.shape_cast %reduce_sum3A_200 : vector<8xf32> to vector<8x1xf32>
      %gt3A_202 = vector.broadcast %shift_right_arithmetic3A_193 : vector<8x1xi32> to vector<8x36864xi32>
      %gt3A_203 = arith.cmpi sgt, %shift_right_logical3A_13, %gt3A_202 : vector<8x36864xi32>
      %jit3A_204 = arith.constant 1.000000e+00 : f32
      %jit3A_205 = arith.constant 0.000000e+00 : f32
      %broadcast_in_dim3A_206 = vector.broadcast %jit3A_204 : f32 to vector<8x36864xf32>
      %broadcast_in_dim3A_207 = vector.broadcast %jit3A_205 : f32 to vector<8x36864xf32>
      %select_n3A_208 = arith.select %gt3A_203, %broadcast_in_dim3A_206, %broadcast_in_dim3A_207 : vector<8x36864xi1>, vector<8x36864xf32>
      %reduce_sum3A_209 = arith.constant dense<0.000000e+00> : vector<8xf32>
      %reduce_sum3A_210 = vector.multi_reduction <add>, %select_n3A_208, %reduce_sum3A_209 [1] : vector<8x36864xf32> to vector<8xf32>
      %broadcast_in_dim3A_211 = vector.shape_cast %reduce_sum3A_210 : vector<8xf32> to vector<8x1xf32>
      %add3A_212 = arith.addf %broadcast_in_dim3A_201, %broadcast_in_dim3A_211 : vector<8x1xf32>
      %lt3A = vector.broadcast %scan3A : f32 to vector<8x1xf32>
      %lt3A_213 = arith.cmpf olt, %add3A_212, %lt3A : vector<8x1xf32>
      %add3A_214 = arith.constant 1 : i32
      %add3A_215 = vector.broadcast %add3A_214 : i32 to vector<8x1xi32>
      %add3A_216 = arith.addi %shift_right_arithmetic3A_193, %add3A_215 : vector<8x1xi32>
      %select_n3A_217 = arith.select %lt3A_213, %scan3A_189, %add3A_216 : vector<8x1xi1>, vector<8x1xi32>
      %select_n3A_218 = arith.select %lt3A_213, %shift_right_arithmetic3A_193, %scan3A_190 : vector<8x1xi1>, vector<8x1xi32>
      scf.yield %select_n3A_217, %select_n3A_218 : vector<8x1xi32>, vector<8x1xi32>
    }
    %gt3A = vector.broadcast %scan3A_21#1 : vector<8x1xi32> to vector<8x32768xi32>
    %gt3A_22 = arith.cmpi sgt, %iota3A, %gt3A : vector<8x32768xi32>
    %jit3A = arith.constant 0.000000e+00 : f32
    %broadcast_in_dim3A_23 = vector.broadcast %jit3A : f32 to vector<8x32768xf32>
    %select_n3A = arith.select %gt3A_22, %add3A_8, %broadcast_in_dim3A_23 : vector<8x32768xi1>, vector<8x32768xf32>
    %reduce_sum3A = arith.constant dense<0.000000e+00> : vector<8xf32>
    %reduce_sum3A_24 = vector.multi_reduction <add>, %select_n3A, %reduce_sum3A [1] : vector<8x32768xf32> to vector<8xf32>
    %broadcast_in_dim3A_25 = vector.shape_cast %reduce_sum3A_24 : vector<8xf32> to vector<8x1xf32>
    %gt3A_26 = vector.broadcast %scan3A_21#1 : vector<8x1xi32> to vector<8x36864xi32>
    %gt3A_27 = arith.cmpi sgt, %shift_right_logical3A_13, %gt3A_26 : vector<8x36864xi32>
    %jit3A_28 = arith.constant 1.000000e+00 : f32
    %jit3A_29 = arith.constant 0.000000e+00 : f32
    %broadcast_in_dim3A_30 = vector.broadcast %jit3A_28 : f32 to vector<8x36864xf32>
    %broadcast_in_dim3A_31 = vector.broadcast %jit3A_29 : f32 to vector<8x36864xf32>
    %select_n3A_32 = arith.select %gt3A_27, %broadcast_in_dim3A_30, %broadcast_in_dim3A_31 : vector<8x36864xi1>, vector<8x36864xf32>
    %reduce_sum3A_33 = arith.constant dense<0.000000e+00> : vector<8xf32>
    %reduce_sum3A_34 = vector.multi_reduction <add>, %select_n3A_32, %reduce_sum3A_33 [1] : vector<8x36864xf32> to vector<8xf32>
    %broadcast_in_dim3A_35 = vector.shape_cast %reduce_sum3A_34 : vector<8xf32> to vector<8x1xf32>
    %add3A_36 = arith.addf %broadcast_in_dim3A_25, %broadcast_in_dim3A_35 : vector<8x1xf32>
    %broadcast_in_dim3A_37 = arith.constant 0.000000e+00 : f32
    %broadcast_in_dim3A_38 = vector.broadcast %broadcast_in_dim3A_37 : f32 to vector<8x1xf32>
    %broadcast_in_dim3A_39 = arith.constant 0.000000e+00 : f32
    %broadcast_in_dim3A_40 = vector.broadcast %broadcast_in_dim3A_39 : f32 to vector<8x1xf32>
    %broadcast_in_dim3A_41 = arith.constant 0.000000e+00 : f32
    %broadcast_in_dim3A_42 = vector.broadcast %broadcast_in_dim3A_41 : f32 to vector<8x1xf32>
    %get3A_43 = arith.constant 0 : index
    %get3A_44 = arith.constant 0 : index
    %get3A_45 = vector.load %arg3[%get3A_43, %get3A_44] : memref<8x36864xf32, #tpu.memory_space<vmem>>, vector<8x36864xf32>
    %bitcast_convert_type3A_46 = tpu.bitcast %get3A_45 : vector<8x36864xf32> -> vector<8x36864xi32>
    %shift_right_logical3A_47 = arith.constant 16 : i32
    %shift_right_logical3A_48 = vector.broadcast %shift_right_logical3A_47 : i32 to vector<8x36864xi32>
    %shift_right_logical3A_49 = arith.shrui %bitcast_convert_type3A_46, %shift_right_logical3A_48 : vector<8x36864xi32>
    %gt3A_50 = vector.broadcast %scan3A_21#1 : vector<8x1xi32> to vector<8x36864xi32>
    %gt3A_51 = arith.cmpi sgt, %shift_right_logical3A_49, %gt3A_50 : vector<8x36864xi32>
    %eq3A = vector.broadcast %scan3A_21#1 : vector<8x1xi32> to vector<8x36864xi32>
    %eq3A_52 = arith.cmpi eq, %shift_right_logical3A_49, %eq3A : vector<8x36864xi32>
    %jit3A_53 = arith.constant 0.000000e+00 : f32
    %broadcast_in_dim3A_54 = vector.broadcast %jit3A_53 : f32 to vector<8x36864xf32>
    %select_n3A_55 = arith.select %gt3A_51, %get3A_45, %broadcast_in_dim3A_54 : vector<8x36864xi1>, vector<8x36864xf32>
    %reduce_sum3A_56 = arith.constant dense<0.000000e+00> : vector<8xf32>
    %reduce_sum3A_57 = vector.multi_reduction <add>, %select_n3A_55, %reduce_sum3A_56 [1] : vector<8x36864xf32> to vector<8xf32>
    %broadcast_in_dim3A_58 = vector.shape_cast %reduce_sum3A_57 : vector<8xf32> to vector<8x1xf32>
    %add3A_59 = arith.addf %broadcast_in_dim3A_38, %broadcast_in_dim3A_58 : vector<8x1xf32>
    %jit3A_60 = arith.constant 0.000000e+00 : f32
    %broadcast_in_dim3A_61 = vector.broadcast %jit3A_60 : f32 to vector<8x36864xf32>
    %select_n3A_62 = arith.select %eq3A_52, %get3A_45, %broadcast_in_dim3A_61 : vector<8x36864xi1>, vector<8x36864xf32>
    %reduce_sum3A_63 = arith.constant dense<0.000000e+00> : vector<8xf32>
    %reduce_sum3A_64 = vector.multi_reduction <add>, %select_n3A_62, %reduce_sum3A_63 [1] : vector<8x36864xf32> to vector<8xf32>
    %broadcast_in_dim3A_65 = vector.shape_cast %reduce_sum3A_64 : vector<8xf32> to vector<8x1xf32>
    %add3A_66 = arith.addf %broadcast_in_dim3A_40, %broadcast_in_dim3A_65 : vector<8x1xf32>
    %jit3A_67 = arith.constant 1.000000e+00 : f32
    %jit3A_68 = arith.constant 0.000000e+00 : f32
    %broadcast_in_dim3A_69 = vector.broadcast %jit3A_67 : f32 to vector<8x36864xf32>
    %broadcast_in_dim3A_70 = vector.broadcast %jit3A_68 : f32 to vector<8x36864xf32>
    %select_n3A_71 = arith.select %eq3A_52, %broadcast_in_dim3A_69, %broadcast_in_dim3A_70 : vector<8x36864xi1>, vector<8x36864xf32>
    %reduce_sum3A_72 = arith.constant dense<0.000000e+00> : vector<8xf32>
    %reduce_sum3A_73 = vector.multi_reduction <add>, %select_n3A_71, %reduce_sum3A_72 [1] : vector<8x36864xf32> to vector<8xf32>
    %broadcast_in_dim3A_74 = vector.shape_cast %reduce_sum3A_73 : vector<8xf32> to vector<8x1xf32>
    %add3A_75 = arith.addf %broadcast_in_dim3A_42, %broadcast_in_dim3A_74 : vector<8x1xf32>
    %get3A_76 = arith.constant 0 : index
    %get3A_77 = arith.constant 0 : index
    %get3A_78 = vector.load %arg4[%get3A_76, %get3A_77] : memref<8x36864xf32, #tpu.memory_space<vmem>>, vector<8x36864xf32>
    %bitcast_convert_type3A_79 = tpu.bitcast %get3A_78 : vector<8x36864xf32> -> vector<8x36864xi32>
    %shift_right_logical3A_80 = arith.constant 16 : i32
    %shift_right_logical3A_81 = vector.broadcast %shift_right_logical3A_80 : i32 to vector<8x36864xi32>
    %shift_right_logical3A_82 = arith.shrui %bitcast_convert_type3A_79, %shift_right_logical3A_81 : vector<8x36864xi32>
    %gt3A_83 = vector.broadcast %scan3A_21#1 : vector<8x1xi32> to vector<8x36864xi32>
    %gt3A_84 = arith.cmpi sgt, %shift_right_logical3A_82, %gt3A_83 : vector<8x36864xi32>
    %eq3A_85 = vector.broadcast %scan3A_21#1 : vector<8x1xi32> to vector<8x36864xi32>
    %eq3A_86 = arith.cmpi eq, %shift_right_logical3A_82, %eq3A_85 : vector<8x36864xi32>
    %jit3A_87 = arith.constant 0.000000e+00 : f32
    %broadcast_in_dim3A_88 = vector.broadcast %jit3A_87 : f32 to vector<8x36864xf32>
    %select_n3A_89 = arith.select %gt3A_84, %get3A_78, %broadcast_in_dim3A_88 : vector<8x36864xi1>, vector<8x36864xf32>
    %reduce_sum3A_90 = arith.constant dense<0.000000e+00> : vector<8xf32>
    %reduce_sum3A_91 = vector.multi_reduction <add>, %select_n3A_89, %reduce_sum3A_90 [1] : vector<8x36864xf32> to vector<8xf32>
    %broadcast_in_dim3A_92 = vector.shape_cast %reduce_sum3A_91 : vector<8xf32> to vector<8x1xf32>
    %add3A_93 = arith.addf %add3A_59, %broadcast_in_dim3A_92 : vector<8x1xf32>
    %jit3A_94 = arith.constant 0.000000e+00 : f32
    %broadcast_in_dim3A_95 = vector.broadcast %jit3A_94 : f32 to vector<8x36864xf32>
    %select_n3A_96 = arith.select %eq3A_86, %get3A_78, %broadcast_in_dim3A_95 : vector<8x36864xi1>, vector<8x36864xf32>
    %reduce_sum3A_97 = arith.constant dense<0.000000e+00> : vector<8xf32>
    %reduce_sum3A_98 = vector.multi_reduction <add>, %select_n3A_96, %reduce_sum3A_97 [1] : vector<8x36864xf32> to vector<8xf32>
    %broadcast_in_dim3A_99 = vector.shape_cast %reduce_sum3A_98 : vector<8xf32> to vector<8x1xf32>
    %add3A_100 = arith.addf %add3A_66, %broadcast_in_dim3A_99 : vector<8x1xf32>
    %jit3A_101 = arith.constant 1.000000e+00 : f32
    %jit3A_102 = arith.constant 0.000000e+00 : f32
    %broadcast_in_dim3A_103 = vector.broadcast %jit3A_101 : f32 to vector<8x36864xf32>
    %broadcast_in_dim3A_104 = vector.broadcast %jit3A_102 : f32 to vector<8x36864xf32>
    %select_n3A_105 = arith.select %eq3A_86, %broadcast_in_dim3A_103, %broadcast_in_dim3A_104 : vector<8x36864xi1>, vector<8x36864xf32>
    %reduce_sum3A_106 = arith.constant dense<0.000000e+00> : vector<8xf32>
    %reduce_sum3A_107 = vector.multi_reduction <add>, %select_n3A_105, %reduce_sum3A_106 [1] : vector<8x36864xf32> to vector<8xf32>
    %broadcast_in_dim3A_108 = vector.shape_cast %reduce_sum3A_107 : vector<8xf32> to vector<8x1xf32>
    %add3A_109 = arith.addf %add3A_75, %broadcast_in_dim3A_108 : vector<8x1xf32>
    %get3A_110 = arith.constant 0 : index
    %get3A_111 = arith.constant 0 : index
    %get3A_112 = vector.load %arg5[%get3A_110, %get3A_111] : memref<8x36864xf32, #tpu.memory_space<vmem>>, vector<8x36864xf32>
    %bitcast_convert_type3A_113 = tpu.bitcast %get3A_112 : vector<8x36864xf32> -> vector<8x36864xi32>
    %shift_right_logical3A_114 = arith.constant 16 : i32
    %shift_right_logical3A_115 = vector.broadcast %shift_right_logical3A_114 : i32 to vector<8x36864xi32>
    %shift_right_logical3A_116 = arith.shrui %bitcast_convert_type3A_113, %shift_right_logical3A_115 : vector<8x36864xi32>
    %gt3A_117 = vector.broadcast %scan3A_21#1 : vector<8x1xi32> to vector<8x36864xi32>
    %gt3A_118 = arith.cmpi sgt, %shift_right_logical3A_116, %gt3A_117 : vector<8x36864xi32>
    %eq3A_119 = vector.broadcast %scan3A_21#1 : vector<8x1xi32> to vector<8x36864xi32>
    %eq3A_120 = arith.cmpi eq, %shift_right_logical3A_116, %eq3A_119 : vector<8x36864xi32>
    %jit3A_121 = arith.constant 0.000000e+00 : f32
    %broadcast_in_dim3A_122 = vector.broadcast %jit3A_121 : f32 to vector<8x36864xf32>
    %select_n3A_123 = arith.select %gt3A_118, %get3A_112, %broadcast_in_dim3A_122 : vector<8x36864xi1>, vector<8x36864xf32>
    %reduce_sum3A_124 = arith.constant dense<0.000000e+00> : vector<8xf32>
    %reduce_sum3A_125 = vector.multi_reduction <add>, %select_n3A_123, %reduce_sum3A_124 [1] : vector<8x36864xf32> to vector<8xf32>
    %broadcast_in_dim3A_126 = vector.shape_cast %reduce_sum3A_125 : vector<8xf32> to vector<8x1xf32>
    %add3A_127 = arith.addf %add3A_93, %broadcast_in_dim3A_126 : vector<8x1xf32>
    %jit3A_128 = arith.constant 0.000000e+00 : f32
    %broadcast_in_dim3A_129 = vector.broadcast %jit3A_128 : f32 to vector<8x36864xf32>
    %select_n3A_130 = arith.select %eq3A_120, %get3A_112, %broadcast_in_dim3A_129 : vector<8x36864xi1>, vector<8x36864xf32>
    %reduce_sum3A_131 = arith.constant dense<0.000000e+00> : vector<8xf32>
    %reduce_sum3A_132 = vector.multi_reduction <add>, %select_n3A_130, %reduce_sum3A_131 [1] : vector<8x36864xf32> to vector<8xf32>
    %broadcast_in_dim3A_133 = vector.shape_cast %reduce_sum3A_132 : vector<8xf32> to vector<8x1xf32>
    %add3A_134 = arith.addf %add3A_100, %broadcast_in_dim3A_133 : vector<8x1xf32>
    %jit3A_135 = arith.constant 1.000000e+00 : f32
    %jit3A_136 = arith.constant 0.000000e+00 : f32
    %broadcast_in_dim3A_137 = vector.broadcast %jit3A_135 : f32 to vector<8x36864xf32>
    %broadcast_in_dim3A_138 = vector.broadcast %jit3A_136 : f32 to vector<8x36864xf32>
    %select_n3A_139 = arith.select %eq3A_120, %broadcast_in_dim3A_137, %broadcast_in_dim3A_138 : vector<8x36864xi1>, vector<8x36864xf32>
    %reduce_sum3A_140 = arith.constant dense<0.000000e+00> : vector<8xf32>
    %reduce_sum3A_141 = vector.multi_reduction <add>, %select_n3A_139, %reduce_sum3A_140 [1] : vector<8x36864xf32> to vector<8xf32>
    %broadcast_in_dim3A_142 = vector.shape_cast %reduce_sum3A_141 : vector<8xf32> to vector<8x1xf32>
    %add3A_143 = arith.addf %add3A_109, %broadcast_in_dim3A_142 : vector<8x1xf32>
    %get3A_144 = arith.constant 0 : index
    %get3A_145 = arith.constant 0 : index
    %get3A_146 = vector.load %arg6[%get3A_144, %get3A_145] : memref<8x36864xf32, #tpu.memory_space<vmem>>, vector<8x36864xf32>
    %bitcast_convert_type3A_147 = tpu.bitcast %get3A_146 : vector<8x36864xf32> -> vector<8x36864xi32>
    %shift_right_logical3A_148 = arith.constant 16 : i32
    %shift_right_logical3A_149 = vector.broadcast %shift_right_logical3A_148 : i32 to vector<8x36864xi32>
    %shift_right_logical3A_150 = arith.shrui %bitcast_convert_type3A_147, %shift_right_logical3A_149 : vector<8x36864xi32>
    %gt3A_151 = vector.broadcast %scan3A_21#1 : vector<8x1xi32> to vector<8x36864xi32>
    %gt3A_152 = arith.cmpi sgt, %shift_right_logical3A_150, %gt3A_151 : vector<8x36864xi32>
    %eq3A_153 = vector.broadcast %scan3A_21#1 : vector<8x1xi32> to vector<8x36864xi32>
    %eq3A_154 = arith.cmpi eq, %shift_right_logical3A_150, %eq3A_153 : vector<8x36864xi32>
    %jit3A_155 = arith.constant 0.000000e+00 : f32
    %broadcast_in_dim3A_156 = vector.broadcast %jit3A_155 : f32 to vector<8x36864xf32>
    %select_n3A_157 = arith.select %gt3A_152, %get3A_146, %broadcast_in_dim3A_156 : vector<8x36864xi1>, vector<8x36864xf32>
    %reduce_sum3A_158 = arith.constant dense<0.000000e+00> : vector<8xf32>
    %reduce_sum3A_159 = vector.multi_reduction <add>, %select_n3A_157, %reduce_sum3A_158 [1] : vector<8x36864xf32> to vector<8xf32>
    %broadcast_in_dim3A_160 = vector.shape_cast %reduce_sum3A_159 : vector<8xf32> to vector<8x1xf32>
    %add3A_161 = arith.addf %add3A_127, %broadcast_in_dim3A_160 : vector<8x1xf32>
    %jit3A_162 = arith.constant 0.000000e+00 : f32
    %broadcast_in_dim3A_163 = vector.broadcast %jit3A_162 : f32 to vector<8x36864xf32>
    %select_n3A_164 = arith.select %eq3A_154, %get3A_146, %broadcast_in_dim3A_163 : vector<8x36864xi1>, vector<8x36864xf32>
    %reduce_sum3A_165 = arith.constant dense<0.000000e+00> : vector<8xf32>
    %reduce_sum3A_166 = vector.multi_reduction <add>, %select_n3A_164, %reduce_sum3A_165 [1] : vector<8x36864xf32> to vector<8xf32>
    %broadcast_in_dim3A_167 = vector.shape_cast %reduce_sum3A_166 : vector<8xf32> to vector<8x1xf32>
    %add3A_168 = arith.addf %add3A_134, %broadcast_in_dim3A_167 : vector<8x1xf32>
    %jit3A_169 = arith.constant 1.000000e+00 : f32
    %jit3A_170 = arith.constant 0.000000e+00 : f32
    %broadcast_in_dim3A_171 = vector.broadcast %jit3A_169 : f32 to vector<8x36864xf32>
    %broadcast_in_dim3A_172 = vector.broadcast %jit3A_170 : f32 to vector<8x36864xf32>
    %select_n3A_173 = arith.select %eq3A_154, %broadcast_in_dim3A_171, %broadcast_in_dim3A_172 : vector<8x36864xi1>, vector<8x36864xf32>
    %reduce_sum3A_174 = arith.constant dense<0.000000e+00> : vector<8xf32>
    %reduce_sum3A_175 = vector.multi_reduction <add>, %select_n3A_173, %reduce_sum3A_174 [1] : vector<8x36864xf32> to vector<8xf32>
    %broadcast_in_dim3A_176 = vector.shape_cast %reduce_sum3A_175 : vector<8xf32> to vector<8x1xf32>
    %add3A_177 = arith.addf %add3A_143, %broadcast_in_dim3A_176 : vector<8x1xf32>
    %max3A = arith.constant 1.000000e+00 : f32
    %max3A_178 = vector.broadcast %max3A : f32 to vector<8x1xf32>
    %max3A_179 = arith.maximumf %add3A_177, %max3A_178 : vector<8x1xf32>
    %div3A = arith.divf %add3A_168, %max3A_179 : vector<8x1xf32>
    %sub3A = arith.constant 1.474500e+04 : f32
    %sub3A_180 = vector.broadcast %sub3A : f32 to vector<8x1xf32>
    %sub3A_181 = arith.subf %sub3A_180, %add3A_36 : vector<8x1xf32>
    %mul3A = arith.mulf %sub3A_181, %div3A : vector<8x1xf32>
    %add3A_182 = arith.addf %add3A_161, %mul3A : vector<8x1xf32>
    %div3A_183 = arith.constant 1.474500e+04 : f32
    %div3A_184 = vector.broadcast %div3A_183 : f32 to vector<8x1xf32>
    %div3A_185 = arith.divf %add3A_182, %div3A_184 : vector<8x1xf32>
    %swap3A = arith.constant 0 : index
    %swap3A_186 = arith.constant 0 : index
    %swap3A_187 = vector.load %arg7[%swap3A, %swap3A_186] : memref<8x1xf32, #tpu.memory_space<vmem>>, vector<8x1xf32>
    tpu.vector_store %arg7[%swap3A, %swap3A_186], %div3A_185 {strides = array<i32>} : memref<8x1xf32, #tpu.memory_space<vmem>>, vector<8x1xf32>,
    return
  }
}

</mosaic_0001>

<sc_bundles>
// kernel: kernel.10.cloned.1.call-start
scs
__scs_entry_jumppad:
0x0: {  	(pc) =	sbr.rel $0x88, $3  }
0x1: {  	(tag) =	ssettag $0x0;
	lr =	simm.s32 $0x1  }
0x2: {  	[smem:$0x3F9E] =	sst lr;
	_ =	strace $0xD0000000  }
0x3: {  	_ = 	snop  }
0x4: {  	_ = 	snop  }
0x5: {  	_ = 	snop  }
0x6: {  	_ = 	snop  }
0x7: {  	_ = 	snop  }
__scs_overlays_trampoline_lowered:
0x8: {  	[smem:$0x3FAD] =	sst s0  }
0x9: {  	[smem:$0x3FAE] =	sst s1  }
0xa: {  	[smem:$0x3FAF] =	sst s2  }
0xb: {  	[smem:$0x3FB0] =	sst s3  }
0xc: {  	[smem:$0x3FB1] =	sst s4  }
0xd: {  	[smem:$0x3FB2] =	sst s5  }
0xe: {  	[smem:$0x3FB3] =	sst s6  }
0xf: {  	[smem:$0x3FB4] =	sst s7  }
0x10: {  	[smem:$0x3FB5] =	sst s8  }
0x11: {  	[smem:$0x3FB6] =	sst s9;
	s0 =	simm.s32 @!p0 $0x0  }
0x12: {  	s1 =	sld [smem:$0x3F9C];
	s0 =	simm.s32 @p0 $0x1  }
0x13: {  	[smem:$0x3FB7] =	sst s0;
	s0 =	simm.s32 @!p1 $0x0  }
0x14: {  	s2 =	sld [smem:$0x3F9B];
	s0 =	simm.s32 @p1 $0x1  }
0x15: {  	[smem:$0x3FB8] =	sst s0;
	s0 =	simm.s32 @!p2 $0x0  }
0x16: {  	s3 =	sld [smem:$0x3FDB];
	s0 =	simm.s32 @p2 $0x1  }
0x17: {  	s4 =	simm.s32 $0x1BF5;
	[smem:$0x3FBA] =	sst s0  }
0x18: {  	s0 =	sld [smem:$0x3F9D];
	_ =	swait.ge [sflag:s4], $0x0  }
0x19: {  	s7 =	sld [smem:$0x3F9E]  }
0x1a: {  	s8 =	sadd.s32 $0xFFFFE003, lr  }
0x1b: {  	s9 =	sadd.s32 $0xFFFFFEF7, lr;
	s5 =	simm.s32 $0xFFFFFFFF;
	p2 =	slt.u32 s8, $0xFFFFF086  }
0x1c: {  	p1 =	slt.u32 s9, $0xF7A;
	s5 =	simm.s32 @!p2 $0x0  }
0x1d: {  	s5 =	simm.s32 @p1 $0x1;
	p0 =	seq.s32 s7, s2  }
0x1e: {  	s7 =	smul.u32 @!p0 $0xF7A, s2;
	p2 =	seq.s32 @!p0 s5, $0x0  }
0x1f: {  	s9 =	smul.u32 $0xF7A, s1;
	s8 =	simm.s32 @!p0 $0x1BF5;
	p2 =	por !p2, p0  }
0x20: {  	[sflag:s8] =	ssyncset.s32 @!p0 $0xFFFFF086;
	s6 =	sadd.s32 @!p0 s3, s7;
	s7 =	simm.s32 @!p0 $0x108  }
0x21: {  	s3 =	sadd.s32 s3, s9;
	s6 =	sadd.s32 @!p0 $0x88, s6;
	s7 =	simm.s32 @p2 $0x1082  }
0x22: {  	[simem:s7], [sflag:s8] =	dma.local @!p0 [hbm:s6], $0xF7A  }
0x23: {  	s9 =	sor.u32 $0xD0000000, s2;
	s6 =	simm.s32 $0x108;
	_ =	swait.ge @!p0 [sflag:s8], $0x0  }
0x24: {  	s3 =	sadd.s32 $0x88, s3;
	s6 =	simm.s32 @!p1 $0x1082;
	[sflag:s4] =	ssyncset.s32 $0xFFFFF086  }
0x25: {  	[simem:s6], [sflag:s4] =	dma.local [hbm:s3], $0xF7A  }
0x26: {  	[smem:$0x3F9E] =	sst s1;
	(tag) =	ssettag s2;
	_ =	strace s9  }
0x27: {  	s1 =	sld [smem:$0x3FAE]  }
0x28: {  	s2 =	sld [smem:$0x3FAF]  }
0x29: {  	s4 =	sld [smem:$0x3FB1]  }
0x2a: {  	p0 =	seq.s32 s5, $0x0;
	s5 =	sld [smem:$0x3FB2]  }
0x2b: {  	s6 =	sld [smem:$0x3FB3]  }
0x2c: {  	s7 =	sld [smem:$0x3FB4]  }
0x2d: {  	s3 =	simm.s32 $0x108;
	s8 =	sld [smem:$0x3FB5]  }
0x2e: {  	s3 =	simm.s32 @!p0 $0x1082;
	s9 =	sld [smem:$0x3FB6]  }
0x2f: {  	lr =	sadd.s32 s0, s3;
	s0 =	sld [smem:$0x3FAD]  }
0x30: {  	s3 =	sld [smem:$0x3FB0]  }
0x31: {  	[smem:$0x3FB9] =	sst s10  }
0x32: {  	s10 =	sld [smem:$0x3FB7];
	_ =	sdelay $0x3  }
0x33: {  	p0 =	seq.s32 s10, $0x1;
	s10 =	sld [smem:$0x3FB9];
	_ =	sdelay $0x3  }
0x34: {  	[smem:$0x3FB9] =	sst s10  }
0x35: {  	s10 =	sld [smem:$0x3FB8];
	_ =	sdelay $0x3  }
0x36: {  	p1 =	seq.s32 s10, $0x1;
	s10 =	sld [smem:$0x3FB9];
	_ =	sdelay $0x3  }
0x37: {  	[smem:$0x3FB9] =	sst s10  }
0x38: {  	s10 =	sld [smem:$0x3FBA]  }
0x39: {  	_ = 	snop;
	(pc) =	sbr.ind lr, $3  }
0x3a: {  	_ = 	snop  }
0x3b: {  	_ = 	snop  }
0x3c: {  	p2 =	seq.s32 s10, $0x1;
	s10 =	sld [smem:$0x3FB9]  }
0x3d: {  	_ =	shalt  }
0x3e: {  	_ =	shalt  }
0x3f: {  	_ =	shalt  }
0x40: {  	_ =	shalt  }
0x41: {  	_ =	shalt  }
0x42: {  	_ =	shalt  }
0x43: {  	_ =	shalt  }
0x44: {  	_ =	shalt  }
0x45: {  	_ =	shalt  }
0x46: {  	_ =	shalt  }
0x47: {  	_ =	shalt  }
0x48: {  	_ =	shalt  }
0x49: {  	_ =	shalt  }
0x4a: {  	_ =	shalt  }
0x4b: {  	_ =	shalt  }
0x4c: {  	_ =	shalt  }
0x4d: {  	_ =	shalt  }
0x4e: {  	_ =	shalt  }
0x4f: {  	_ =	shalt  }
0x50: {  	_ =	shalt  }
0x51: {  	_ =	shalt  }
0x52: {  	_ =	shalt  }
0x53: {  	_ =	shalt  }
0x54: {  	_ =	shalt  }
0x55: {  	_ =	shalt  }
0x56: {  	_ =	shalt  }
0x57: {  	_ =	shalt  }
0x58: {  	_ =	shalt  }
0x59: {  	_ =	shalt  }
0x5a: {  	_ =	shalt  }
0x5b: {  	_ =	shalt  }
0x5c: {  	_ =	shalt  }
0x5d: {  	_ =	shalt  }
0x5e: {  	_ =	shalt  }
0x5f: {  	_ =	shalt  }
0x60: {  	_ =	shalt  }
0x61: {  	_ =	shalt  }
0x62: {  	_ =	shalt  }
0x63: {  	_ =	shalt  }
0x64: {  	_ =	shalt  }
0x65: {  	_ =	shalt  }
0x66: {  	_ =	shalt  }
0x67: {  	_ =	shalt  }
0x68: {  	_ =	shalt  }
0x69: {  	_ =	shalt  }
0x6a: {  	_ =	shalt  }
0x6b: {  	_ =	shalt  }
0x6c: {  	_ =	shalt  }
0x6d: {  	_ =	shalt  }
0x6e: {  	_ =	shalt  }
0x6f: {  	_ =	shalt  }
0x70: {  	_ =	shalt  }
0x71: {  	_ =	shalt  }
0x72: {  	_ =	shalt  }
0x73: {  	_ =	shalt  }
0x74: {  	_ =	shalt  }
0x75: {  	_ =	shalt  }
0x76: {  	_ =	shalt  }
0x77: {  	_ =	shalt  }
0x78: {  	_ =	shalt  }
0x79: {  	_ =	shalt  }
0x7a: {  	_ =	shalt  }
0x7b: {  	_ =	shalt  }
0x7c: {  	_ =	shalt  }
0x7d: {  	_ =	shalt  }
0x7e: {  	_ =	shalt  }
0x7f: {  	_ =	shalt  }
0x80: {  	_ =	shalt  }
0x81: {  	_ =	shalt  }
0x82: {  	_ =	shalt  }
0x83: {  	_ =	shalt  }
0x84: {  	_ =	shalt  }
0x85: {  	_ =	shalt  }
0x86: {  	_ =	shalt  }
0x87: {  	_ =	shalt  }
.Lfunc_end0:
.L_simem_size_0:
called_computation_lowered:
.L_overlay_start_0:
0x88: {  	s2 =	sld [smem:$0x3FD9]  }
0x89: {  	s3 =	sld [smem:$0x3FFE];
	_ =	sdelay $0x1  }
0x8a: {  	s1 =	srdreg.scid  }
0x8b: {  	s0 =	sand.u32 $0x1, s1  }
0x8c: {  	s17 =	sshll.u32 s0, $0xA;
	s2 =	sadd.s32 s3, s2  }
0x8d: {  	s2 =	sadd.s32 s2, s17  }
0x8e: {  	[smem:$0x3FC5] =	sst s2  }
0x8f: {  	_ = 	snop  }
0x90: {  	(tm) =	ssettm $0x1  }
0x91: {  	s18 =	sld [smem:$0x3FFB];
	_ =	sdelay $0x3  }
0x92: {  	_ =	strace s18  }
0x93: {  	s2 =	sld [smem:$0x3FFC];
	_ =	sdelay $0x3  }
0x94: {  	_ =	strace s2  }
0x95: {  	s2 =	sld [smem:$0x3FFD];
	_ =	sdelay $0x3  }
0x96: {  	_ =	strace s2  }
0x97: {  	_ =	strace $0x8FFFFFFF  }
0x98: {  	s19 =	sld [smem:$0x3FDB];
	_ =	sdelay $0x1  }
0x99: {  	s20 =	simm.s32 $_scs_section_size  }
0x9a: {  	s4 =	simm.s32 $_size__tile_overlayer_lowered;
	s5 =	simm.s32 $_tile_overlayer_lowered  }
0x9b: {  	s6 =	simm.s32 $0x1BFF;
	s21 =	sshll.u32 s5, $0x1;
	s3 =	sadd.s32 s20, s19  }
0x9c: {  	s22 =	simm.s32 $0x0;
	s4 =	sshll.u32 s4, $0x1;
	s5 =	sadd.s32 s21, s3  }
0x9d: {  	[timem:s22], [sflag:s6] =	dma.local [hbm:s5], s4  }
0x9e: {  	_ =	swait.ge [sflag:s6], s4  }
0x9f: {  	s4 =	ssub.s32 $0x0, s4;
	[sflag:s6] =	ssyncset.done $0x0  }
0xa0: {  	[sflag:s6] =	ssyncadd.s32 s4;
	_ =	sdelay $0x1  }
0xa1: {  	s23 =	simm.s32 $0x1B8B  }
0xa2: {  	_ =	swait.ge [sflag:s23], $0x1  }
0xa3: {  	[sflag:s23] =	ssyncset.done $0x0  }
0xa4: {  	[sflag:s23] =	ssyncadd.s32 $0xFFFFFFFF  }
0xa5: {  	s4 =	sld [smem:$0x0]  }
0xa6: {  	s5 =	sand.u32 $0xFFFFFFFE, s1  }
0xa7: {  	p0 =	sne.s32 s1, s5  }
0xa8: {  	s5 =	sshll.u32 @p0 s5, $0xE  }
0xa9: {  	s5 =	sadd.s32 @p0 $0x11B8D, s5;
	s6 =	sshll.u32 @p0 s4, $0x11  }
0xaa: {  	s5 =	sor.u32 @p0 s6, s5  }
0xab: {  	[sflag:s5] =	ssyncadd.remote.s32 @p0 $0x1;
	_ =	sdelay $0x1  }
0xac: {  	s5 =	simm.s32 @p0 $0x1B8D  }
0xad: {  	_ =	swait.eq @p0 [sflag:s5], $0x1  }
0xae: {  	[sflag:s5] =	ssyncadd.s32 @p0 $0xFFFFFFFF  }
0xaf: {  	s6 =	sshll.u32 @!p0 s1, $0xE  }
0xb0: {  	s6 =	sor.u32 @!p0 $0x4000, s6;
	s5 =	simm.s32 @!p0 $0x1B8D  }
0xb1: {  	s4 =	sshll.u32 @!p0 s4, $0x11;
	s6 =	sadd.s32 @!p0 $0x11B8D, s6;
	_ =	swait.eq @!p0 [sflag:s5], $0x1  }
0xb2: {  	s4 =	sor.u32 @!p0 s4, s6;
	[sflag:s5] =	ssyncadd.s32 @!p0 $0xFFFFFFFF  }
0xb3: {  	s25 =	simm.s32 $0x1B8E;
	s24 =	sld [smem:$0x3FFE];
	[sflag:s4] =	ssyncadd.remote.s32 @!p0 $0x1  }
0xb4: {  	s26 =	simm.s32 $execute0_lowered;
	[smem:$0x3FD2] =	sst s25  }
0xb5: {  	s5 =	sshll.u32 s26, $0x1;
	_ =	strace $0x8000004C;
	[dreg:$0x1] =	wrdreg $0xFFFFFFFF  }
0xb6: {  	s28 =	simm.s32 $_size_execute0_lowered;
	s3 =	sadd.s32 s3, s5;
	[dreg:$0x0] =	wrdreg $0x0  }
0xb7: {  	s5 =	sshll.u32 s28, $0x1;
	[dreg:$0x2] =	wrdreg s3  }
0xb8: {  	[dreg:$0x3] =	wrdreg s5  }
0xb9: {  	[dreg:$0x4] =	wrdreg $0xC0  }
0xba: {  	_ =	task [dreg:s22], $0x5FFFF  }
0xbb: {  	[dreg:$0x1] =	wrdreg $0xFFFFFFFF  }
0xbc: {  	[dreg:$0x0] =	wrdreg $0x60  }
0xbd: {  	[dreg:$0x2] =	wrdreg s24  }
0xbe: {  	[dreg:$0x3] =	wrdreg $0x9000  }
0xbf: {  	[dreg:$0x4] =	wrdreg $0x9  }
0xc0: {  	_ =	task.clear_ibuf [dreg:s22], $0x5FFFF;
	_ =	strace $0x9000004C  }
0xc1: {  	s29 =	simm.s32 $0x9;
	_ =	strace $0x8000004E  }
0xc2: {  	_ =	swait.ge [sflag:s29], $0x1  }
0xc3: {  	[sflag:s29] =	ssyncadd.s32 $0xFFFFFFFF  }
0xc4: {  	_ =	strace $0x9000004E  }
0xc5: {  	_ =	sfence  }
0xc6: {  	s30 =	sld [smem:$0x0];
	_ =	sdelay $0x2  }
0xc7: {  	s31 =	sshll.u32 s1, $0xD;
	s1 =	sshrl.u32 s1, $0x2  }
0xc8: {  	s4 =	sand.u32 $0x4000, s31;
	s1 =	sadd.s32 s1, s30  }
0xc9: {  	s0 =	sor.u32 s4, s0;
	s1 =	sshll.u32 s1, $0x11  }
0xca: {  	s0 =	sor.u32 s1, s0  }
0xcb: {  	s0 =	sadd.s32 $0x8F2B, s0  }
0xcc: {  	[sflag:s0] =	ssyncadd.remote.s32 $0x1  }
0xcd: {  	_ =	sfence.sel $0xFFFF  }
0xce: {  	[dreg:$0x0] =	wrdreg $0xFFFFFFFF;
	(pc) =	sbr.abs _section_cstart, $3  }
0xcf: {  	[dreg:$0x1] =	wrdreg $0xFFFFFFFF  }
0xd0: {  	_ =	task.clear_ibuf [dreg:s22], $0x2FFFF;
	_ =	strace $0x9FFFFFFF  }
0xd1: {  	(tm) =	ssettm $0x7FFFFFFF  }
tec
execute0_lowered:
.L_overlay_start_1:
0x0: {  	(tag) =	ssettag $0x1  }
0x1: {  	s5 =	rddreg [dreg:$0x0]  }
0x2: {  	s2 =	rddreg [dreg:$0x1]  }
0x3: {  	s0 =	rddreg [dreg:$0x2]  }
0x4: {  	s3 =	simm.s32 $0x0;
	s1 =	stileid.u32;
	s4 =	srdreg.scid  }
0x5: {  	s16 =	simm.s32 $0x500;
	s17 =	simm.s32 $0x1;
	s18 =	simm.s32 $0x80  }
0x6: {  	s20 =	simm.s32 $0x480;
	s21 =	simm.s32 $0x10;
	[smem:$0x7FF] =	sst s3  }
0x7: {  	s6 =	sand.u32 $0x3, s1;
	s7 =	sand.u32 $0x1, s4;
	s4 =	sadd.s32 $0x23E00, s5  }
0x8: {  	s10 =	sshrl.u32 s1, $0x2;
	s31 =	sshll.u32 s1, $0xD;
	_ =	strace $0x8000004D  }
0x9: {  	s8 =	sshll.u32 s6, $0xD;
	s9 =	ssub.s32 $0x2, s7;
	s30 =	sshll.u32 s7, $0x2  }
0xa: {  	s6 =	smul.u32 $0x12000, s6;
	s19 =	sshll.u32 s10, $0xF;
	s8 =	sadd.s32 s8, s5  }
0xb: {  	s29 =	sshrl.u32 s9, $0x1;
	s7 =	sor.u32 s10, s30;
	s5 =	sadd.s32 s31, s2  }
0xc: {  	v0 =	vmov s19;
	s19 =	simm.s32 $0x400;
	s9 =	ssub.s32 s9, s29;
	s11 =	sshll.u32 s7, $0x7  }
0xd: {  	s7 =	sshll.u32 s7, $0x4;
	s10 =	sadd.s32 $0x800, s5;
	s12 =	sadd.s32 $0x1000, s5  }
0xe: {  	s13 =	sadd.s32 $0x1400, s5;
	s14 =	sadd.s32 $0x1800, s5;
	s15 =	sadd.s32 $0x1C00, s5  }
0xf: {  	s6 =	sor.u32 s11, s6;
	s7 =	sadd.s32 s7, s8;
	s8 =	smax.u32 s9, $0x1  }
0x10: {  	v1 =	vimm.f32 $0.0e+00;
	v2 =	vimm.f32 $1.000000000e+00;
	s9 =	sadd.s32 $0x400, s5;
	s11 =	sadd.s32 $0xC00, s5;
	s7 =	sadd.s32 $0x2CE00, s7  }
.LBB2_1:
0x11: {  	s22 =	simm.s32 $0x40;
	s23 =	simm.s32 $0x0  }
.LBB2_2:
0x12: {  	p0 =	sne.s32 s22, $0xFC0;
	[tilespmem:s23+$0x500] =	vst v1;
	s23 =	smov.u32 s22;
	s22 =	sadd.s32 $0x40, s22  }
.Ltmp0:
0x13: {  	(pc) =	sbr.rel @p0 .LBB2_2-.Ltmp0, $2  }
0x14: {  	_ =	sdelay $0x2  }
0x15: {  	s23 =	sshra.s32 s23, $0x2  }
0x16: {  	[tilespmem:s23+$0x500] =	vst v1  }
0x17: {  	[spmem:s5] =	stream.linear.scatter [tilespmem:s16], [sflag:$0x1], $0x400, $0x38;
	[tilespmem:$0x2900] =	vst v63  }
0x18: {  	_ =	swait.ge [sflag:s17], $0x400  }
0x19: {  	[sflag:s17] =	ssyncset.done $0x0  }
0x1a: {  	[sflag:s17] =	ssyncadd.s32 $0xFFFFFC00  }
0x1b: {  	[spmem:s9] =	stream.linear.scatter [tilespmem:s16], [sflag:$0x1], $0x400, $0x38;
	[tilespmem:$0x2900] =	vst v63  }
0x1c: {  	_ =	swait.ge [sflag:s17], $0x400  }
0x1d: {  	[sflag:s17] =	ssyncset.done $0x0  }
0x1e: {  	[sflag:s17] =	ssyncadd.s32 $0xFFFFFC00  }
0x1f: {  	[spmem:s10] =	stream.linear.scatter [tilespmem:s16], [sflag:$0x1], $0x400, $0x38;
	[tilespmem:$0x2900] =	vst v63  }
0x20: {  	_ =	swait.ge [sflag:s17], $0x400  }
0x21: {  	[sflag:s17] =	ssyncset.done $0x0  }
0x22: {  	[sflag:s17] =	ssyncadd.s32 $0xFFFFFC00  }
0x23: {  	[spmem:s11] =	stream.linear.scatter [tilespmem:s16], [sflag:$0x1], $0x400, $0x38;
	[tilespmem:$0x2900] =	vst v63  }
0x24: {  	_ =	swait.ge [sflag:s17], $0x400  }
0x25: {  	[sflag:s17] =	ssyncset.done $0x0  }
0x26: {  	[sflag:s17] =	ssyncadd.s32 $0xFFFFFC00  }
0x27: {  	[spmem:s12] =	stream.linear.scatter [tilespmem:s16], [sflag:$0x1], $0x400, $0x38;
	[tilespmem:$0x2900] =	vst v63  }
0x28: {  	_ =	swait.ge [sflag:s17], $0x400  }
0x29: {  	[sflag:s17] =	ssyncset.done $0x0  }
0x2a: {  	[sflag:s17] =	ssyncadd.s32 $0xFFFFFC00  }
0x2b: {  	[spmem:s13] =	stream.linear.scatter [tilespmem:s16], [sflag:$0x1], $0x400, $0x38;
	[tilespmem:$0x2900] =	vst v63  }
0x2c: {  	_ =	swait.ge [sflag:s17], $0x400  }
0x2d: {  	[sflag:s17] =	ssyncset.done $0x0  }
0x2e: {  	[sflag:s17] =	ssyncadd.s32 $0xFFFFFC00  }
0x2f: {  	[spmem:s14] =	stream.linear.scatter [tilespmem:s16], [sflag:$0x1], $0x400, $0x38;
	[tilespmem:$0x2900] =	vst v63  }
0x30: {  	_ =	swait.ge [sflag:s17], $0x400  }
0x31: {  	[sflag:s17] =	ssyncset.done $0x0  }
0x32: {  	[sflag:s17] =	ssyncadd.s32 $0xFFFFFC00  }
0x33: {  	[spmem:s15] =	stream.linear.scatter [tilespmem:s16], [sflag:$0x1], $0x400, $0x38;
	[tilespmem:$0x2900] =	vst v63  }
0x34: {  	_ =	swait.ge [sflag:s17], $0x400  }
0x35: {  	[sflag:s17] =	ssyncset.done $0x0  }
0x36: {  	[sflag:s17] =	ssyncadd.s32 $0xFFFFFC00  }
0x37: {  	[tilespmem:$0x480] =	vst v2  }
0x38: {  	[tilespmem:$0x490] =	vst v2  }
0x39: {  	[tilespmem:$0x4A0] =	vst v2  }
0x3a: {  	[tilespmem:$0x4B0] =	vst v2  }
0x3b: {  	[tilespmem:$0x4C0] =	vst v2  }
0x3c: {  	[tilespmem:$0x4D0] =	vst v2  }
0x3d: {  	[tilespmem:$0x4E0] =	vst v2  }
0x3e: {  	[tilespmem:$0x4F0] =	vst v2  }
0x3f: {  	s22 =	simm.s32 $0x0;
	s23 =	simm.s32 $0x0;
	[bflag:$0x0] =	sbarrier.arrive $0xFFFF  }
.LBB2_4:
0x40: {  	s24 =	sshll.u32 s23, $0xD  }
0x41: {  	s24 =	sadd.s32 s6, s24  }
0x42: {  	s24 =	sshrl.u32 s24, $0x3  }
0x43: {  	s24 =	sadd.s32 s4, s24  }
0x44: {  	[tilespmem:s22], [sflag:$0x1] =	stream.strided.gather [hbm4b:s24+s18], $0x400, s19, s18, $0x38;
	[tilespmem:$0x2900] =	vst v63  }
0x45: {  	_ =	swait.ge [sflag:s17], $0x400  }
0x46: {  	[sflag:s17] =	ssyncset.done $0x0  }
0x47: {  	s31 =	simm.s32 $0x0;
	[sflag:s17] =	ssyncadd.s32 $0xFFFFFC00  }
0x48: {  	v3 =	vld [tilespmem:s31+$0x0];
	_ =	sdelay $0x4  }
0x49: {  	v3 =	vshrl.u32 v3, $0x10  }
0x4a: {  	v3 =	vadd.s32 v0, v3  }
0x4b: {  	[tilespmem:$0x400] =	vst v3  }
0x4c: {  	v3 =	vld [tilespmem:s31+$0x10];
	_ =	sdelay $0x4  }
0x4d: {  	v3 =	vshrl.u32 v3, $0x10  }
0x4e: {  	v3 =	vadd.s32 v0, v3  }
0x4f: {  	[tilespmem:$0x410] =	vst v3  }
0x50: {  	v3 =	vld [tilespmem:s31+$0x20];
	_ =	sdelay $0x4  }
0x51: {  	v3 =	vshrl.u32 v3, $0x10  }
0x52: {  	v3 =	vadd.s32 v0, v3  }
0x53: {  	[tilespmem:$0x420] =	vst v3  }
0x54: {  	v3 =	vld [tilespmem:s31+$0x30];
	_ =	sdelay $0x4  }
0x55: {  	v3 =	vshrl.u32 v3, $0x10  }
0x56: {  	v3 =	vadd.s32 v0, v3  }
0x57: {  	[tilespmem:$0x430] =	vst v3  }
0x58: {  	v3 =	vld [tilespmem:s31+$0x40];
	_ =	sdelay $0x4  }
0x59: {  	v3 =	vshrl.u32 v3, $0x10  }
0x5a: {  	v3 =	vadd.s32 v0, v3  }
0x5b: {  	[tilespmem:$0x440] =	vst v3  }
0x5c: {  	v3 =	vld [tilespmem:s31+$0x50];
	_ =	sdelay $0x4  }
0x5d: {  	v3 =	vshrl.u32 v3, $0x10  }
0x5e: {  	v3 =	vadd.s32 v0, v3  }
0x5f: {  	[tilespmem:$0x450] =	vst v3  }
0x60: {  	v3 =	vld [tilespmem:s31+$0x60];
	_ =	sdelay $0x4  }
0x61: {  	v3 =	vshrl.u32 v3, $0x10  }
0x62: {  	v3 =	vadd.s32 v0, v3  }
0x63: {  	[tilespmem:$0x460] =	vst v3  }
0x64: {  	v3 =	vld [tilespmem:s31+$0x70];
	_ =	sdelay $0x4  }
0x65: {  	v3 =	vshrl.u32 v3, $0x10  }
0x66: {  	v3 =	vadd.s32 v0, v3  }
0x67: {  	[tilespmem:$0x470] =	vst v3  }
0x68: {  	[spmem:s2] =	stream.indirect.scatter.add.f32 [tilespmem:s20], [sflag:$0x1], $0x1, s19, s18, $0xb8;
	[tilespmem:$0x2900] =	vst v63  }
0x69: {  	_ =	swait.ge [sflag:s17], $0x80  }
0x6a: {  	s28 =	simm.s32 $0x400;
	s24 =	simm.s32 $0x200;
	[sflag:s17] =	ssyncset.done $0x0  }
.LBB2_5:
0x6b: {  	s26 =	sshra.s32 s24, $0x2  }
0x6c: {  	[sflag:s17] =	ssyncadd.s32 $0xFFFFFF80;
	s24 =	smov.u32 s28;
	s25 =	sadd.s32 $0x200, s28  }
0x6d: {  	p0 =	sne.s32 s28, $0xE00;
	v3 =	vld [tilespmem:s26+$0x0];
	_ =	sdelay $0x4  }
0x6e: {  	v3 =	vshrl.u32 v3, $0x10  }
0x6f: {  	v3 =	vadd.s32 v0, v3  }
0x70: {  	[tilespmem:$0x400] =	vst v3  }
0x71: {  	v3 =	vld [tilespmem:s26+$0x10];
	_ =	sdelay $0x4  }
0x72: {  	v3 =	vshrl.u32 v3, $0x10  }
0x73: {  	v3 =	vadd.s32 v0, v3  }
0x74: {  	[tilespmem:$0x410] =	vst v3  }
0x75: {  	v3 =	vld [tilespmem:s26+$0x20];
	_ =	sdelay $0x4  }
0x76: {  	v3 =	vshrl.u32 v3, $0x10  }
0x77: {  	v3 =	vadd.s32 v0, v3  }
0x78: {  	[tilespmem:$0x420] =	vst v3  }
0x79: {  	v3 =	vld [tilespmem:s26+$0x30];
	_ =	sdelay $0x4  }
0x7a: {  	v3 =	vshrl.u32 v3, $0x10  }
0x7b: {  	v3 =	vadd.s32 v0, v3  }
0x7c: {  	[tilespmem:$0x430] =	vst v3  }
0x7d: {  	v3 =	vld [tilespmem:s26+$0x40];
	_ =	sdelay $0x4  }
0x7e: {  	v3 =	vshrl.u32 v3, $0x10  }
0x7f: {  	v3 =	vadd.s32 v0, v3  }
0x80: {  	[tilespmem:$0x440] =	vst v3  }
0x81: {  	v3 =	vld [tilespmem:s26+$0x50];
	_ =	sdelay $0x4  }
0x82: {  	v3 =	vshrl.u32 v3, $0x10  }
0x83: {  	v3 =	vadd.s32 v0, v3  }
0x84: {  	[tilespmem:$0x450] =	vst v3  }
0x85: {  	v3 =	vld [tilespmem:s26+$0x60];
	_ =	sdelay $0x4  }
0x86: {  	v3 =	vshrl.u32 v3, $0x10  }
0x87: {  	v3 =	vadd.s32 v0, v3  }
0x88: {  	[tilespmem:$0x460] =	vst v3  }
0x89: {  	v3 =	vld [tilespmem:s26+$0x70];
	_ =	sdelay $0x4  }
0x8a: {  	v3 =	vshrl.u32 v3, $0x10  }
.Ltmp1:
0x8b: {  	v3 =	vadd.s32 v0, v3;
	(pc) =	sbr.rel @p0 .LBB2_5-.Ltmp1, $4  }
0x8c: {  	[tilespmem:$0x470] =	vst v3  }
0x8d: {  	[spmem:s2] =	stream.indirect.scatter.add.f32 [tilespmem:s20], [sflag:$0x1], $0x1, s19, s18, $0xb8;
	[tilespmem:$0x2900] =	vst v63  }
0x8e: {  	_ =	swait.ge [sflag:s17], $0x80  }
0x8f: {  	s28 =	smov.u32 s25;
	[sflag:s17] =	ssyncset.done $0x0  }
0x90: {  	s24 =	sshra.s32 s24, $0x2;
	[sflag:s17] =	ssyncadd.s32 $0xFFFFFF80  }
0x91: {  	v3 =	vld [tilespmem:s24+$0x0];
	_ =	sdelay $0x4  }
0x92: {  	v3 =	vshrl.u32 v3, $0x10  }
0x93: {  	v3 =	vadd.s32 v0, v3  }
0x94: {  	[tilespmem:$0x400] =	vst v3  }
0x95: {  	v3 =	vld [tilespmem:s24+$0x10];
	_ =	sdelay $0x4  }
0x96: {  	v3 =	vshrl.u32 v3, $0x10  }
0x97: {  	v3 =	vadd.s32 v0, v3  }
0x98: {  	[tilespmem:$0x410] =	vst v3  }
0x99: {  	v3 =	vld [tilespmem:s24+$0x20];
	_ =	sdelay $0x4  }
0x9a: {  	v3 =	vshrl.u32 v3, $0x10  }
0x9b: {  	v3 =	vadd.s32 v0, v3  }
0x9c: {  	[tilespmem:$0x420] =	vst v3  }
0x9d: {  	v3 =	vld [tilespmem:s24+$0x30];
	_ =	sdelay $0x4  }
0x9e: {  	v3 =	vshrl.u32 v3, $0x10  }
0x9f: {  	v3 =	vadd.s32 v0, v3  }
0xa0: {  	[tilespmem:$0x430] =	vst v3  }
0xa1: {  	v3 =	vld [tilespmem:s24+$0x40];
	_ =	sdelay $0x4  }
0xa2: {  	v3 =	vshrl.u32 v3, $0x10  }
0xa3: {  	v3 =	vadd.s32 v0, v3  }
0xa4: {  	[tilespmem:$0x440] =	vst v3  }
0xa5: {  	v3 =	vld [tilespmem:s24+$0x50];
	_ =	sdelay $0x4  }
0xa6: {  	v3 =	vshrl.u32 v3, $0x10  }
0xa7: {  	v3 =	vadd.s32 v0, v3  }
0xa8: {  	[tilespmem:$0x450] =	vst v3  }
0xa9: {  	v3 =	vld [tilespmem:s24+$0x60];
	_ =	sdelay $0x4  }
0xaa: {  	v3 =	vshrl.u32 v3, $0x10  }
0xab: {  	v3 =	vadd.s32 v0, v3  }
0xac: {  	[tilespmem:$0x460] =	vst v3  }
0xad: {  	v3 =	vld [tilespmem:s24+$0x70];
	_ =	sdelay $0x4  }
0xae: {  	s23 =	sadd.s32 $0x1, s23;
	v3 =	vshrl.u32 v3, $0x10  }
0xaf: {  	p0 =	sne.s32 s23, $0x9;
	v3 =	vadd.s32 v0, v3  }
.Ltmp2:
0xb0: {  	[tilespmem:$0x470] =	vst v3;
	(pc) =	sbr.rel @p0 .LBB2_4-.Ltmp2, $4  }
0xb1: {  	[spmem:s2] =	stream.indirect.scatter.add.f32 [tilespmem:s20], [sflag:$0x1], $0x1, s19, s18, $0xb8;
	[tilespmem:$0x2900] =	vst v63  }
0xb2: {  	_ =	swait.ge [sflag:s17], $0x80  }
0xb3: {  	[sflag:s17] =	ssyncset.done $0x0  }
0xb4: {  	[sflag:s17] =	ssyncadd.s32 $0xFFFFFF80  }
0xb5: {  	s3 =	sadd.s32 $0x1, s3  }
0xb6: {  	s22 =	sshll.u32 s1, $0x6;
	[bflag:$0x0] =	sbarrier.arrive $0xFFFF;
	p0 =	sne.s32 s3, s8  }
.Ltmp3:
0xb7: {  	s23 =	sshrl.u32 s5, $0x3;
	s22 =	sor.u32 $0x1C01, s22;
	(pc) =	sbr.rel @p0 .LBB2_1-.Ltmp3, $4  }
0xb8: {  	[hbm:s7@s18], [sflag:s22] =	dma.strided [spmem:s23@s21], $0x400, s17, $0x10   }
0xb9: {  	_ =	swait.ge [sflag:s17], $0x400  }
0xba: {  	[sflag:s17] =	ssyncset.done $0x0  }
0xbb: {  	[sflag:s17] =	ssyncadd.s32 $0xFFFFFC00  }
0xbc: {  	_ =	sfence.sel $0x180000  }
0xbd: {  	[bflag:$0x0] =	sbarrier.arrive $0xFFFF  }
0xbe: {  	p0 =	sne.s32 s1, $0x0;
	_ =	strace $0x9000004D  }
0xbf: {  	s0 =	sadd.s32 @!p0 $0x100000, s0;
	[bflag:$0x2] =	sbarrier.arrive $0xFFFF  }
0xc0: {  	[sflag:s0] =	ssyncadd.tile.s32 @!p0 $0x1;
	_ =	shalt  }
.Lfunc_end2:
_tile_overlayer_lowered:
.L_overlay_start_2:
0xc1: {  	(tag) =	ssettag $0x2  }
0xc2: {  	s0 =	rddreg [dreg:$0x0];
	s2 =	stileid.u32  }
0xc3: {  	s1 =	rddreg [dreg:$0x1];
	p0 =	sne.s32 s2, $0x0  }
0xc4: {  	s3 =	rddreg [dreg:$0x2];
	[bflag:$0x3] =	sbarrier.arrive $0xFFFF;
	s2 =	simm.s32 @!p0 $0x1C01  }
0xc5: {  	[timem:s3], [sflag:s2] =	dma.local @!p0 [hbm:s0], s1  }
0xc6: {  	s0 =	simm.s32 @!p0 $0x1  }
0xc7: {  	_ =	swait.ge @!p0 [sflag:s0], s1  }
0xc8: {  	s1 =	ssub.s32 @!p0 $0x0, s1;
	[sflag:s0] =	ssyncset.done @!p0 $0x0  }
0xc9: {  	[sflag:s0] =	ssyncadd.s32 @!p0 s1  }
0xca: {  	[bflag:$0x3] =	sbarrier.arrive $0xFFFF  }
0xcb: {  	_ =	shalt  }

// kernel: kernel.13.cloned.1.call-start
scs
__scs_entry_jumppad:
0x0: {  	(pc) =	sbr.rel $0x88, $3  }
0x1: {  	(tag) =	ssettag $0x0;
	lr =	simm.s32 $0x1  }
0x2: {  	[smem:$0x3F9E] =	sst lr;
	_ =	strace $0xD0000000  }
0x3: {  	_ = 	snop  }
0x4: {  	_ = 	snop  }
0x5: {  	_ = 	snop  }
0x6: {  	_ = 	snop  }
0x7: {  	_ = 	snop  }
__scs_overlays_trampoline_lowered:
0x8: {  	[smem:$0x3FAD] =	sst s0  }
0x9: {  	[smem:$0x3FAE] =	sst s1  }
0xa: {  	[smem:$0x3FAF] =	sst s2  }
0xb: {  	[smem:$0x3FB0] =	sst s3  }
0xc: {  	[smem:$0x3FB1] =	sst s4  }
0xd: {  	[smem:$0x3FB2] =	sst s5  }
0xe: {  	[smem:$0x3FB3] =	sst s6  }
0xf: {  	[smem:$0x3FB4] =	sst s7  }
0x10: {  	[smem:$0x3FB5] =	sst s8  }
0x11: {  	[smem:$0x3FB6] =	sst s9;
	s0 =	simm.s32 @!p0 $0x0  }
0x12: {  	s1 =	sld [smem:$0x3F9C];
	s0 =	simm.s32 @p0 $0x1  }
0x13: {  	[smem:$0x3FB7] =	sst s0;
	s0 =	simm.s32 @!p1 $0x0  }
0x14: {  	s2 =	sld [smem:$0x3F9B];
	s0 =	simm.s32 @p1 $0x1  }
0x15: {  	[smem:$0x3FB8] =	sst s0;
	s0 =	simm.s32 @!p2 $0x0  }
0x16: {  	s3 =	sld [smem:$0x3FDB];
	s0 =	simm.s32 @p2 $0x1  }
0x17: {  	s4 =	simm.s32 $0x1BF5;
	[smem:$0x3FBA] =	sst s0  }
0x18: {  	s0 =	sld [smem:$0x3F9D];
	_ =	swait.ge [sflag:s4], $0x0  }
0x19: {  	s7 =	sld [smem:$0x3F9E]  }
0x1a: {  	s8 =	sadd.s32 $0xFFFFE003, lr  }
0x1b: {  	s9 =	sadd.s32 $0xFFFFFEF7, lr;
	s5 =	simm.s32 $0xFFFFFFFF;
	p2 =	slt.u32 s8, $0xFFFFF086  }
0x1c: {  	p1 =	slt.u32 s9, $0xF7A;
	s5 =	simm.s32 @!p2 $0x0  }
0x1d: {  	s5 =	simm.s32 @p1 $0x1;
	p0 =	seq.s32 s7, s2  }
0x1e: {  	s7 =	smul.u32 @!p0 $0xF7A, s2;
	p2 =	seq.s32 @!p0 s5, $0x0  }
0x1f: {  	s9 =	smul.u32 $0xF7A, s1;
	s8 =	simm.s32 @!p0 $0x1BF5;
	p2 =	por !p2, p0  }
0x20: {  	[sflag:s8] =	ssyncset.s32 @!p0 $0xFFFFF086;
	s6 =	sadd.s32 @!p0 s3, s7;
	s7 =	simm.s32 @!p0 $0x108  }
0x21: {  	s3 =	sadd.s32 s3, s9;
	s6 =	sadd.s32 @!p0 $0x88, s6;
	s7 =	simm.s32 @p2 $0x1082  }
0x22: {  	[simem:s7], [sflag:s8] =	dma.local @!p0 [hbm:s6], $0xF7A  }
0x23: {  	s9 =	sor.u32 $0xD0000000, s2;
	s6 =	simm.s32 $0x108;
	_ =	swait.ge @!p0 [sflag:s8], $0x0  }
0x24: {  	s3 =	sadd.s32 $0x88, s3;
	s6 =	simm.s32 @!p1 $0x1082;
	[sflag:s4] =	ssyncset.s32 $0xFFFFF086  }
0x25: {  	[simem:s6], [sflag:s4] =	dma.local [hbm:s3], $0xF7A  }
0x26: {  	[smem:$0x3F9E] =	sst s1;
	(tag) =	ssettag s2;
	_ =	strace s9  }
0x27: {  	s1 =	sld [smem:$0x3FAE]  }
0x28: {  	s2 =	sld [smem:$0x3FAF]  }
0x29: {  	s4 =	sld [smem:$0x3FB1]  }
0x2a: {  	p0 =	seq.s32 s5, $0x0;
	s5 =	sld [smem:$0x3FB2]  }
0x2b: {  	s6 =	sld [smem:$0x3FB3]  }
0x2c: {  	s7 =	sld [smem:$0x3FB4]  }
0x2d: {  	s3 =	simm.s32 $0x108;
	s8 =	sld [smem:$0x3FB5]  }
0x2e: {  	s3 =	simm.s32 @!p0 $0x1082;
	s9 =	sld [smem:$0x3FB6]  }
0x2f: {  	lr =	sadd.s32 s0, s3;
	s0 =	sld [smem:$0x3FAD]  }
0x30: {  	s3 =	sld [smem:$0x3FB0]  }
0x31: {  	[smem:$0x3FB9] =	sst s10  }
0x32: {  	s10 =	sld [smem:$0x3FB7];
	_ =	sdelay $0x3  }
0x33: {  	p0 =	seq.s32 s10, $0x1;
	s10 =	sld [smem:$0x3FB9];
	_ =	sdelay $0x3  }
0x34: {  	[smem:$0x3FB9] =	sst s10  }
0x35: {  	s10 =	sld [smem:$0x3FB8];
	_ =	sdelay $0x3  }
0x36: {  	p1 =	seq.s32 s10, $0x1;
	s10 =	sld [smem:$0x3FB9];
	_ =	sdelay $0x3  }
0x37: {  	[smem:$0x3FB9] =	sst s10  }
0x38: {  	s10 =	sld [smem:$0x3FBA]  }
0x39: {  	_ = 	snop;
	(pc) =	sbr.ind lr, $3  }
0x3a: {  	_ = 	snop  }
0x3b: {  	_ = 	snop  }
0x3c: {  	p2 =	seq.s32 s10, $0x1;
	s10 =	sld [smem:$0x3FB9]  }
0x3d: {  	_ =	shalt  }
0x3e: {  	_ =	shalt  }
0x3f: {  	_ =	shalt  }
0x40: {  	_ =	shalt  }
0x41: {  	_ =	shalt  }
0x42: {  	_ =	shalt  }
0x43: {  	_ =	shalt  }
0x44: {  	_ =	shalt  }
0x45: {  	_ =	shalt  }
0x46: {  	_ =	shalt  }
0x47: {  	_ =	shalt  }
0x48: {  	_ =	shalt  }
0x49: {  	_ =	shalt  }
0x4a: {  	_ =	shalt  }
0x4b: {  	_ =	shalt  }
0x4c: {  	_ =	shalt  }
0x4d: {  	_ =	shalt  }
0x4e: {  	_ =	shalt  }
0x4f: {  	_ =	shalt  }
0x50: {  	_ =	shalt  }
0x51: {  	_ =	shalt  }
0x52: {  	_ =	shalt  }
0x53: {  	_ =	shalt  }
0x54: {  	_ =	shalt  }
0x55: {  	_ =	shalt  }
0x56: {  	_ =	shalt  }
0x57: {  	_ =	shalt  }
0x58: {  	_ =	shalt  }
0x59: {  	_ =	shalt  }
0x5a: {  	_ =	shalt  }
0x5b: {  	_ =	shalt  }
0x5c: {  	_ =	shalt  }
0x5d: {  	_ =	shalt  }
0x5e: {  	_ =	shalt  }
0x5f: {  	_ =	shalt  }
0x60: {  	_ =	shalt  }
0x61: {  	_ =	shalt  }
0x62: {  	_ =	shalt  }
0x63: {  	_ =	shalt  }
0x64: {  	_ =	shalt  }
0x65: {  	_ =	shalt  }
0x66: {  	_ =	shalt  }
0x67: {  	_ =	shalt  }
0x68: {  	_ =	shalt  }
0x69: {  	_ =	shalt  }
0x6a: {  	_ =	shalt  }
0x6b: {  	_ =	shalt  }
0x6c: {  	_ =	shalt  }
0x6d: {  	_ =	shalt  }
0x6e: {  	_ =	shalt  }
0x6f: {  	_ =	shalt  }
0x70: {  	_ =	shalt  }
0x71: {  	_ =	shalt  }
0x72: {  	_ =	shalt  }
0x73: {  	_ =	shalt  }
0x74: {  	_ =	shalt  }
0x75: {  	_ =	shalt  }
0x76: {  	_ =	shalt  }
0x77: {  	_ =	shalt  }
0x78: {  	_ =	shalt  }
0x79: {  	_ =	shalt  }
0x7a: {  	_ =	shalt  }
0x7b: {  	_ =	shalt  }
0x7c: {  	_ =	shalt  }
0x7d: {  	_ =	shalt  }
0x7e: {  	_ =	shalt  }
0x7f: {  	_ =	shalt  }
0x80: {  	_ =	shalt  }
0x81: {  	_ =	shalt  }
0x82: {  	_ =	shalt  }
0x83: {  	_ =	shalt  }
0x84: {  	_ =	shalt  }
0x85: {  	_ =	shalt  }
0x86: {  	_ =	shalt  }
0x87: {  	_ =	shalt  }
.Lfunc_end0:
.L_simem_size_0:
called_computation.1_lowered:
.L_overlay_start_0:
0x88: {  	s2 =	sld [smem:$0x3FD9]  }
0x89: {  	s3 =	sld [smem:$0x3FFE];
	_ =	sdelay $0x1  }
0x8a: {  	s1 =	srdreg.scid  }
0x8b: {  	s0 =	sand.u32 $0x1, s1  }
0x8c: {  	s17 =	sshll.u32 s0, $0xA;
	s2 =	sadd.s32 s3, s2  }
0x8d: {  	s2 =	sadd.s32 s2, s17  }
0x8e: {  	[smem:$0x3FC5] =	sst s2  }
0x8f: {  	_ = 	snop  }
0x90: {  	(tm) =	ssettm $0x1  }
0x91: {  	s18 =	sld [smem:$0x3FFB];
	_ =	sdelay $0x3  }
0x92: {  	_ =	strace s18  }
0x93: {  	s2 =	sld [smem:$0x3FFC];
	_ =	sdelay $0x3  }
0x94: {  	_ =	strace s2  }
0x95: {  	s2 =	sld [smem:$0x3FFD];
	_ =	sdelay $0x3  }
0x96: {  	_ =	strace s2  }
0x97: {  	_ =	strace $0x8FFFFFFF  }
0x98: {  	s19 =	sld [smem:$0x3FDB];
	_ =	sdelay $0x1  }
0x99: {  	s20 =	simm.s32 $_scs_section_size  }
0x9a: {  	s4 =	simm.s32 $_size__tile_overlayer_lowered;
	s5 =	simm.s32 $_tile_overlayer_lowered  }
0x9b: {  	s6 =	simm.s32 $0x1BFF;
	s21 =	sshll.u32 s5, $0x1;
	s3 =	sadd.s32 s20, s19  }
0x9c: {  	s22 =	simm.s32 $0x0;
	s4 =	sshll.u32 s4, $0x1;
	s5 =	sadd.s32 s21, s3  }
0x9d: {  	[timem:s22], [sflag:s6] =	dma.local [hbm:s5], s4  }
0x9e: {  	_ =	swait.ge [sflag:s6], s4  }
0x9f: {  	s4 =	ssub.s32 $0x0, s4;
	[sflag:s6] =	ssyncset.done $0x0  }
0xa0: {  	[sflag:s6] =	ssyncadd.s32 s4;
	_ =	sdelay $0x1  }
0xa1: {  	s23 =	simm.s32 $0x1B8B  }
0xa2: {  	_ =	swait.ge [sflag:s23], $0x1  }
0xa3: {  	[sflag:s23] =	ssyncset.done $0x0  }
0xa4: {  	[sflag:s23] =	ssyncadd.s32 $0xFFFFFFFF  }
0xa5: {  	s4 =	sld [smem:$0x0]  }
0xa6: {  	s5 =	sand.u32 $0xFFFFFFFE, s1  }
0xa7: {  	p0 =	sne.s32 s1, s5  }
0xa8: {  	s5 =	sshll.u32 @p0 s5, $0xE  }
0xa9: {  	s5 =	sadd.s32 @p0 $0x11B8D, s5;
	s6 =	sshll.u32 @p0 s4, $0x11  }
0xaa: {  	s5 =	sor.u32 @p0 s6, s5  }
0xab: {  	[sflag:s5] =	ssyncadd.remote.s32 @p0 $0x1;
	_ =	sdelay $0x1  }
0xac: {  	s5 =	simm.s32 @p0 $0x1B8D  }
0xad: {  	_ =	swait.eq @p0 [sflag:s5], $0x1  }
0xae: {  	[sflag:s5] =	ssyncadd.s32 @p0 $0xFFFFFFFF  }
0xaf: {  	s6 =	sshll.u32 @!p0 s1, $0xE  }
0xb0: {  	s6 =	sor.u32 @!p0 $0x4000, s6;
	s5 =	simm.s32 @!p0 $0x1B8D  }
0xb1: {  	s4 =	sshll.u32 @!p0 s4, $0x11;
	s6 =	sadd.s32 @!p0 $0x11B8D, s6;
	_ =	swait.eq @!p0 [sflag:s5], $0x1  }
0xb2: {  	s4 =	sor.u32 @!p0 s4, s6;
	[sflag:s5] =	ssyncadd.s32 @!p0 $0xFFFFFFFF  }
0xb3: {  	s25 =	simm.s32 $0x1B8E;
	s24 =	sld [smem:$0x3FFE];
	[sflag:s4] =	ssyncadd.remote.s32 @!p0 $0x1  }
0xb4: {  	s26 =	simm.s32 $execute0_lowered;
	[smem:$0x3FD2] =	sst s25  }
0xb5: {  	s5 =	sshll.u32 s26, $0x1;
	_ =	strace $0x80000049;
	[dreg:$0x1] =	wrdreg $0xFFFFFFFF  }
0xb6: {  	s28 =	simm.s32 $_size_execute0_lowered;
	s3 =	sadd.s32 s3, s5;
	[dreg:$0x0] =	wrdreg $0x0  }
0xb7: {  	s5 =	sshll.u32 s28, $0x1;
	[dreg:$0x2] =	wrdreg s3  }
0xb8: {  	[dreg:$0x3] =	wrdreg s5  }
0xb9: {  	[dreg:$0x4] =	wrdreg $0xC0  }
0xba: {  	_ =	task [dreg:s22], $0x5FFFF  }
0xbb: {  	[dreg:$0x1] =	wrdreg $0xFFFFFFFF  }
0xbc: {  	[dreg:$0x0] =	wrdreg $0x60  }
0xbd: {  	[dreg:$0x2] =	wrdreg s24  }
0xbe: {  	[dreg:$0x3] =	wrdreg $0x9000  }
0xbf: {  	[dreg:$0x4] =	wrdreg $0xA  }
0xc0: {  	_ =	task.clear_ibuf [dreg:s22], $0x5FFFF;
	_ =	strace $0x90000049  }
0xc1: {  	s29 =	simm.s32 $0xA;
	_ =	strace $0x8000004B  }
0xc2: {  	_ =	swait.ge [sflag:s29], $0x1  }
0xc3: {  	[sflag:s29] =	ssyncadd.s32 $0xFFFFFFFF  }
0xc4: {  	_ =	strace $0x9000004B  }
0xc5: {  	_ =	sfence  }
0xc6: {  	s30 =	sld [smem:$0x0];
	_ =	sdelay $0x2  }
0xc7: {  	s31 =	sshll.u32 s1, $0xD;
	s1 =	sshrl.u32 s1, $0x2  }
0xc8: {  	s4 =	sand.u32 $0x4000, s31;
	s1 =	sadd.s32 s1, s30  }
0xc9: {  	s0 =	sor.u32 s4, s0;
	s1 =	sshll.u32 s1, $0x11  }
0xca: {  	s0 =	sor.u32 s1, s0  }
0xcb: {  	s0 =	sadd.s32 $0x8F2B, s0  }
0xcc: {  	[sflag:s0] =	ssyncadd.remote.s32 $0x1  }
0xcd: {  	_ =	sfence.sel $0xFFFF  }
0xce: {  	[dreg:$0x0] =	wrdreg $0xFFFFFFFF;
	(pc) =	sbr.abs _section_cstart, $3  }
0xcf: {  	[dreg:$0x1] =	wrdreg $0xFFFFFFFF  }
0xd0: {  	_ =	task.clear_ibuf [dreg:s22], $0x2FFFF;
	_ =	strace $0x9FFFFFFF  }
0xd1: {  	(tm) =	ssettm $0x7FFFFFFF  }
tec
execute0_lowered:
.L_overlay_start_1:
0x0: {  	(tag) =	ssettag $0x1  }
0x1: {  	s5 =	rddreg [dreg:$0x0]  }
0x2: {  	s2 =	rddreg [dreg:$0x1]  }
0x3: {  	s0 =	rddreg [dreg:$0x2]  }
0x4: {  	s3 =	simm.s32 $0x0;
	s1 =	stileid.u32;
	s4 =	srdreg.scid  }
0x5: {  	s16 =	simm.s32 $0x500;
	s17 =	simm.s32 $0x1;
	s18 =	simm.s32 $0x80  }
0x6: {  	s20 =	simm.s32 $0x480;
	s21 =	simm.s32 $0x10;
	[smem:$0x7FF] =	sst s3  }
0x7: {  	s6 =	sand.u32 $0x3, s1;
	s7 =	sand.u32 $0x1, s4;
	s4 =	sadd.s32 $0x12E00, s5  }
0x8: {  	s10 =	sshrl.u32 s1, $0x2;
	s31 =	sshll.u32 s1, $0xD;
	_ =	strace $0x8000004A  }
0x9: {  	s8 =	sshll.u32 s6, $0xD;
	s9 =	ssub.s32 $0x2, s7;
	s30 =	sshll.u32 s7, $0x2  }
0xa: {  	s6 =	smul.u32 $0x12000, s6;
	s19 =	sshll.u32 s10, $0xF;
	s8 =	sadd.s32 s8, s5  }
0xb: {  	s29 =	sshrl.u32 s9, $0x1;
	s7 =	sor.u32 s10, s30;
	s5 =	sadd.s32 s31, s2  }
0xc: {  	v0 =	vmov s19;
	s19 =	simm.s32 $0x400;
	s9 =	ssub.s32 s9, s29;
	s11 =	sshll.u32 s7, $0x7  }
0xd: {  	s7 =	sshll.u32 s7, $0x4;
	s10 =	sadd.s32 $0x800, s5;
	s12 =	sadd.s32 $0x1000, s5  }
0xe: {  	s13 =	sadd.s32 $0x1400, s5;
	s14 =	sadd.s32 $0x1800, s5;
	s15 =	sadd.s32 $0x1C00, s5  }
0xf: {  	s6 =	sor.u32 s11, s6;
	s7 =	sadd.s32 s7, s8;
	s8 =	smax.u32 s9, $0x1  }
0x10: {  	v1 =	vimm.f32 $0.0e+00;
	v2 =	vimm.f32 $1.000000000e+00;
	s9 =	sadd.s32 $0x400, s5;
	s11 =	sadd.s32 $0xC00, s5;
	s7 =	sadd.s32 $0x1BE00, s7  }
.LBB2_1:
0x11: {  	s22 =	simm.s32 $0x40;
	s23 =	simm.s32 $0x0  }
.LBB2_2:
0x12: {  	p0 =	sne.s32 s22, $0xFC0;
	[tilespmem:s23+$0x500] =	vst v1;
	s23 =	smov.u32 s22;
	s22 =	sadd.s32 $0x40, s22  }
.Ltmp0:
0x13: {  	(pc) =	sbr.rel @p0 .LBB2_2-.Ltmp0, $2  }
0x14: {  	_ =	sdelay $0x2  }
0x15: {  	s23 =	sshra.s32 s23, $0x2  }
0x16: {  	[tilespmem:s23+$0x500] =	vst v1  }
0x17: {  	[spmem:s5] =	stream.linear.scatter [tilespmem:s16], [sflag:$0x1], $0x400, $0x38;
	[tilespmem:$0x2900] =	vst v63  }
0x18: {  	_ =	swait.ge [sflag:s17], $0x400  }
0x19: {  	[sflag:s17] =	ssyncset.done $0x0  }
0x1a: {  	[sflag:s17] =	ssyncadd.s32 $0xFFFFFC00  }
0x1b: {  	[spmem:s9] =	stream.linear.scatter [tilespmem:s16], [sflag:$0x1], $0x400, $0x38;
	[tilespmem:$0x2900] =	vst v63  }
0x1c: {  	_ =	swait.ge [sflag:s17], $0x400  }
0x1d: {  	[sflag:s17] =	ssyncset.done $0x0  }
0x1e: {  	[sflag:s17] =	ssyncadd.s32 $0xFFFFFC00  }
0x1f: {  	[spmem:s10] =	stream.linear.scatter [tilespmem:s16], [sflag:$0x1], $0x400, $0x38;
	[tilespmem:$0x2900] =	vst v63  }
0x20: {  	_ =	swait.ge [sflag:s17], $0x400  }
0x21: {  	[sflag:s17] =	ssyncset.done $0x0  }
0x22: {  	[sflag:s17] =	ssyncadd.s32 $0xFFFFFC00  }
0x23: {  	[spmem:s11] =	stream.linear.scatter [tilespmem:s16], [sflag:$0x1], $0x400, $0x38;
	[tilespmem:$0x2900] =	vst v63  }
0x24: {  	_ =	swait.ge [sflag:s17], $0x400  }
0x25: {  	[sflag:s17] =	ssyncset.done $0x0  }
0x26: {  	[sflag:s17] =	ssyncadd.s32 $0xFFFFFC00  }
0x27: {  	[spmem:s12] =	stream.linear.scatter [tilespmem:s16], [sflag:$0x1], $0x400, $0x38;
	[tilespmem:$0x2900] =	vst v63  }
0x28: {  	_ =	swait.ge [sflag:s17], $0x400  }
0x29: {  	[sflag:s17] =	ssyncset.done $0x0  }
0x2a: {  	[sflag:s17] =	ssyncadd.s32 $0xFFFFFC00  }
0x2b: {  	[spmem:s13] =	stream.linear.scatter [tilespmem:s16], [sflag:$0x1], $0x400, $0x38;
	[tilespmem:$0x2900] =	vst v63  }
0x2c: {  	_ =	swait.ge [sflag:s17], $0x400  }
0x2d: {  	[sflag:s17] =	ssyncset.done $0x0  }
0x2e: {  	[sflag:s17] =	ssyncadd.s32 $0xFFFFFC00  }
0x2f: {  	[spmem:s14] =	stream.linear.scatter [tilespmem:s16], [sflag:$0x1], $0x400, $0x38;
	[tilespmem:$0x2900] =	vst v63  }
0x30: {  	_ =	swait.ge [sflag:s17], $0x400  }
0x31: {  	[sflag:s17] =	ssyncset.done $0x0  }
0x32: {  	[sflag:s17] =	ssyncadd.s32 $0xFFFFFC00  }
0x33: {  	[spmem:s15] =	stream.linear.scatter [tilespmem:s16], [sflag:$0x1], $0x400, $0x38;
	[tilespmem:$0x2900] =	vst v63  }
0x34: {  	_ =	swait.ge [sflag:s17], $0x400  }
0x35: {  	[sflag:s17] =	ssyncset.done $0x0  }
0x36: {  	[sflag:s17] =	ssyncadd.s32 $0xFFFFFC00  }
0x37: {  	[tilespmem:$0x480] =	vst v2  }
0x38: {  	[tilespmem:$0x490] =	vst v2  }
0x39: {  	[tilespmem:$0x4A0] =	vst v2  }
0x3a: {  	[tilespmem:$0x4B0] =	vst v2  }
0x3b: {  	[tilespmem:$0x4C0] =	vst v2  }
0x3c: {  	[tilespmem:$0x4D0] =	vst v2  }
0x3d: {  	[tilespmem:$0x4E0] =	vst v2  }
0x3e: {  	[tilespmem:$0x4F0] =	vst v2  }
0x3f: {  	s22 =	simm.s32 $0x0;
	s23 =	simm.s32 $0x0;
	[bflag:$0x0] =	sbarrier.arrive $0xFFFF  }
.LBB2_4:
0x40: {  	s24 =	sshll.u32 s23, $0xD  }
0x41: {  	s24 =	sadd.s32 s6, s24  }
0x42: {  	s24 =	sshrl.u32 s24, $0x3  }
0x43: {  	s24 =	sadd.s32 s4, s24  }
0x44: {  	[tilespmem:s22], [sflag:$0x1] =	stream.strided.gather [hbm4b:s24+s18], $0x400, s19, s18, $0x38;
	[tilespmem:$0x2900] =	vst v63  }
0x45: {  	_ =	swait.ge [sflag:s17], $0x400  }
0x46: {  	[sflag:s17] =	ssyncset.done $0x0  }
0x47: {  	s31 =	simm.s32 $0x0;
	[sflag:s17] =	ssyncadd.s32 $0xFFFFFC00  }
0x48: {  	v3 =	vld [tilespmem:s31+$0x0];
	_ =	sdelay $0x4  }
0x49: {  	v3 =	vshrl.u32 v3, $0x10  }
0x4a: {  	v3 =	vadd.s32 v0, v3  }
0x4b: {  	[tilespmem:$0x400] =	vst v3  }
0x4c: {  	v3 =	vld [tilespmem:s31+$0x10];
	_ =	sdelay $0x4  }
0x4d: {  	v3 =	vshrl.u32 v3, $0x10  }
0x4e: {  	v3 =	vadd.s32 v0, v3  }
0x4f: {  	[tilespmem:$0x410] =	vst v3  }
0x50: {  	v3 =	vld [tilespmem:s31+$0x20];
	_ =	sdelay $0x4  }
0x51: {  	v3 =	vshrl.u32 v3, $0x10  }
0x52: {  	v3 =	vadd.s32 v0, v3  }
0x53: {  	[tilespmem:$0x420] =	vst v3  }
0x54: {  	v3 =	vld [tilespmem:s31+$0x30];
	_ =	sdelay $0x4  }
0x55: {  	v3 =	vshrl.u32 v3, $0x10  }
0x56: {  	v3 =	vadd.s32 v0, v3  }
0x57: {  	[tilespmem:$0x430] =	vst v3  }
0x58: {  	v3 =	vld [tilespmem:s31+$0x40];
	_ =	sdelay $0x4  }
0x59: {  	v3 =	vshrl.u32 v3, $0x10  }
0x5a: {  	v3 =	vadd.s32 v0, v3  }
0x5b: {  	[tilespmem:$0x440] =	vst v3  }
0x5c: {  	v3 =	vld [tilespmem:s31+$0x50];
	_ =	sdelay $0x4  }
0x5d: {  	v3 =	vshrl.u32 v3, $0x10  }
0x5e: {  	v3 =	vadd.s32 v0, v3  }
0x5f: {  	[tilespmem:$0x450] =	vst v3  }
0x60: {  	v3 =	vld [tilespmem:s31+$0x60];
	_ =	sdelay $0x4  }
0x61: {  	v3 =	vshrl.u32 v3, $0x10  }
0x62: {  	v3 =	vadd.s32 v0, v3  }
0x63: {  	[tilespmem:$0x460] =	vst v3  }
0x64: {  	v3 =	vld [tilespmem:s31+$0x70];
	_ =	sdelay $0x4  }
0x65: {  	v3 =	vshrl.u32 v3, $0x10  }
0x66: {  	v3 =	vadd.s32 v0, v3  }
0x67: {  	[tilespmem:$0x470] =	vst v3  }
0x68: {  	[spmem:s2] =	stream.indirect.scatter.add.f32 [tilespmem:s20], [sflag:$0x1], $0x1, s19, s18, $0xb8;
	[tilespmem:$0x2900] =	vst v63  }
0x69: {  	_ =	swait.ge [sflag:s17], $0x80  }
0x6a: {  	s28 =	simm.s32 $0x400;
	s24 =	simm.s32 $0x200;
	[sflag:s17] =	ssyncset.done $0x0  }
.LBB2_5:
0x6b: {  	s26 =	sshra.s32 s24, $0x2  }
0x6c: {  	[sflag:s17] =	ssyncadd.s32 $0xFFFFFF80;
	s24 =	smov.u32 s28;
	s25 =	sadd.s32 $0x200, s28  }
0x6d: {  	p0 =	sne.s32 s28, $0xE00;
	v3 =	vld [tilespmem:s26+$0x0];
	_ =	sdelay $0x4  }
0x6e: {  	v3 =	vshrl.u32 v3, $0x10  }
0x6f: {  	v3 =	vadd.s32 v0, v3  }
0x70: {  	[tilespmem:$0x400] =	vst v3  }
0x71: {  	v3 =	vld [tilespmem:s26+$0x10];
	_ =	sdelay $0x4  }
0x72: {  	v3 =	vshrl.u32 v3, $0x10  }
0x73: {  	v3 =	vadd.s32 v0, v3  }
0x74: {  	[tilespmem:$0x410] =	vst v3  }
0x75: {  	v3 =	vld [tilespmem:s26+$0x20];
	_ =	sdelay $0x4  }
0x76: {  	v3 =	vshrl.u32 v3, $0x10  }
0x77: {  	v3 =	vadd.s32 v0, v3  }
0x78: {  	[tilespmem:$0x420] =	vst v3  }
0x79: {  	v3 =	vld [tilespmem:s26+$0x30];
	_ =	sdelay $0x4  }
0x7a: {  	v3 =	vshrl.u32 v3, $0x10  }
0x7b: {  	v3 =	vadd.s32 v0, v3  }
0x7c: {  	[tilespmem:$0x430] =	vst v3  }
0x7d: {  	v3 =	vld [tilespmem:s26+$0x40];
	_ =	sdelay $0x4  }
0x7e: {  	v3 =	vshrl.u32 v3, $0x10  }
0x7f: {  	v3 =	vadd.s32 v0, v3  }
0x80: {  	[tilespmem:$0x440] =	vst v3  }
0x81: {  	v3 =	vld [tilespmem:s26+$0x50];
	_ =	sdelay $0x4  }
0x82: {  	v3 =	vshrl.u32 v3, $0x10  }
0x83: {  	v3 =	vadd.s32 v0, v3  }
0x84: {  	[tilespmem:$0x450] =	vst v3  }
0x85: {  	v3 =	vld [tilespmem:s26+$0x60];
	_ =	sdelay $0x4  }
0x86: {  	v3 =	vshrl.u32 v3, $0x10  }
0x87: {  	v3 =	vadd.s32 v0, v3  }
0x88: {  	[tilespmem:$0x460] =	vst v3  }
0x89: {  	v3 =	vld [tilespmem:s26+$0x70];
	_ =	sdelay $0x4  }
0x8a: {  	v3 =	vshrl.u32 v3, $0x10  }
.Ltmp1:
0x8b: {  	v3 =	vadd.s32 v0, v3;
	(pc) =	sbr.rel @p0 .LBB2_5-.Ltmp1, $4  }
0x8c: {  	[tilespmem:$0x470] =	vst v3  }
0x8d: {  	[spmem:s2] =	stream.indirect.scatter.add.f32 [tilespmem:s20], [sflag:$0x1], $0x1, s19, s18, $0xb8;
	[tilespmem:$0x2900] =	vst v63  }
0x8e: {  	_ =	swait.ge [sflag:s17], $0x80  }
0x8f: {  	s28 =	smov.u32 s25;
	[sflag:s17] =	ssyncset.done $0x0  }
0x90: {  	s24 =	sshra.s32 s24, $0x2;
	[sflag:s17] =	ssyncadd.s32 $0xFFFFFF80  }
0x91: {  	v3 =	vld [tilespmem:s24+$0x0];
	_ =	sdelay $0x4  }
0x92: {  	v3 =	vshrl.u32 v3, $0x10  }
0x93: {  	v3 =	vadd.s32 v0, v3  }
0x94: {  	[tilespmem:$0x400] =	vst v3  }
0x95: {  	v3 =	vld [tilespmem:s24+$0x10];
	_ =	sdelay $0x4  }
0x96: {  	v3 =	vshrl.u32 v3, $0x10  }
0x97: {  	v3 =	vadd.s32 v0, v3  }
0x98: {  	[tilespmem:$0x410] =	vst v3  }
0x99: {  	v3 =	vld [tilespmem:s24+$0x20];
	_ =	sdelay $0x4  }
0x9a: {  	v3 =	vshrl.u32 v3, $0x10  }
0x9b: {  	v3 =	vadd.s32 v0, v3  }
0x9c: {  	[tilespmem:$0x420] =	vst v3  }
0x9d: {  	v3 =	vld [tilespmem:s24+$0x30];
	_ =	sdelay $0x4  }
0x9e: {  	v3 =	vshrl.u32 v3, $0x10  }
0x9f: {  	v3 =	vadd.s32 v0, v3  }
0xa0: {  	[tilespmem:$0x430] =	vst v3  }
0xa1: {  	v3 =	vld [tilespmem:s24+$0x40];
	_ =	sdelay $0x4  }
0xa2: {  	v3 =	vshrl.u32 v3, $0x10  }
0xa3: {  	v3 =	vadd.s32 v0, v3  }
0xa4: {  	[tilespmem:$0x440] =	vst v3  }
0xa5: {  	v3 =	vld [tilespmem:s24+$0x50];
	_ =	sdelay $0x4  }
0xa6: {  	v3 =	vshrl.u32 v3, $0x10  }
0xa7: {  	v3 =	vadd.s32 v0, v3  }
0xa8: {  	[tilespmem:$0x450] =	vst v3  }
0xa9: {  	v3 =	vld [tilespmem:s24+$0x60];
	_ =	sdelay $0x4  }
0xaa: {  	v3 =	vshrl.u32 v3, $0x10  }
0xab: {  	v3 =	vadd.s32 v0, v3  }
0xac: {  	[tilespmem:$0x460] =	vst v3  }
0xad: {  	v3 =	vld [tilespmem:s24+$0x70];
	_ =	sdelay $0x4  }
0xae: {  	s23 =	sadd.s32 $0x1, s23;
	v3 =	vshrl.u32 v3, $0x10  }
0xaf: {  	p0 =	sne.s32 s23, $0x9;
	v3 =	vadd.s32 v0, v3  }
.Ltmp2:
0xb0: {  	[tilespmem:$0x470] =	vst v3;
	(pc) =	sbr.rel @p0 .LBB2_4-.Ltmp2, $4  }
0xb1: {  	[spmem:s2] =	stream.indirect.scatter.add.f32 [tilespmem:s20], [sflag:$0x1], $0x1, s19, s18, $0xb8;
	[tilespmem:$0x2900] =	vst v63  }
0xb2: {  	_ =	swait.ge [sflag:s17], $0x80  }
0xb3: {  	[sflag:s17] =	ssyncset.done $0x0  }
0xb4: {  	[sflag:s17] =	ssyncadd.s32 $0xFFFFFF80  }
0xb5: {  	s3 =	sadd.s32 $0x1, s3  }
0xb6: {  	s22 =	sshll.u32 s1, $0x6;
	[bflag:$0x0] =	sbarrier.arrive $0xFFFF;
	p0 =	sne.s32 s3, s8  }
.Ltmp3:
0xb7: {  	s23 =	sshrl.u32 s5, $0x3;
	s22 =	sor.u32 $0x1C01, s22;
	(pc) =	sbr.rel @p0 .LBB2_1-.Ltmp3, $4  }
0xb8: {  	[hbm:s7@s18], [sflag:s22] =	dma.strided [spmem:s23@s21], $0x400, s17, $0x10   }
0xb9: {  	_ =	swait.ge [sflag:s17], $0x400  }
0xba: {  	[sflag:s17] =	ssyncset.done $0x0  }
0xbb: {  	[sflag:s17] =	ssyncadd.s32 $0xFFFFFC00  }
0xbc: {  	_ =	sfence.sel $0x180000  }
0xbd: {  	[bflag:$0x0] =	sbarrier.arrive $0xFFFF  }
0xbe: {  	p0 =	sne.s32 s1, $0x0;
	_ =	strace $0x9000004A  }
0xbf: {  	s0 =	sadd.s32 @!p0 $0x100000, s0;
	[bflag:$0x2] =	sbarrier.arrive $0xFFFF  }
0xc0: {  	[sflag:s0] =	ssyncadd.tile.s32 @!p0 $0x1;
	_ =	shalt  }
.Lfunc_end2:
_tile_overlayer_lowered:
.L_overlay_start_2:
0xc1: {  	(tag) =	ssettag $0x2  }
0xc2: {  	s0 =	rddreg [dreg:$0x0];
	s2 =	stileid.u32  }
0xc3: {  	s1 =	rddreg [dreg:$0x1];
	p0 =	sne.s32 s2, $0x0  }
0xc4: {  	s3 =	rddreg [dreg:$0x2];
	[bflag:$0x3] =	sbarrier.arrive $0xFFFF;
	s2 =	simm.s32 @!p0 $0x1C01  }
0xc5: {  	[timem:s3], [sflag:s2] =	dma.local @!p0 [hbm:s0], s1  }
0xc6: {  	s0 =	simm.s32 @!p0 $0x1  }
0xc7: {  	_ =	swait.ge @!p0 [sflag:s0], s1  }
0xc8: {  	s1 =	ssub.s32 @!p0 $0x0, s1;
	[sflag:s0] =	ssyncset.done @!p0 $0x0  }
0xc9: {  	[sflag:s0] =	ssyncadd.s32 @!p0 s1  }
0xca: {  	[bflag:$0x3] =	sbarrier.arrive $0xFFFF  }
0xcb: {  	_ =	shalt  }

// kernel: kernel.16.cloned.1.call-start
scs
__scs_entry_jumppad:
0x0: {  	(pc) =	sbr.rel $0x88, $3  }
0x1: {  	(tag) =	ssettag $0x0;
	lr =	simm.s32 $0x1  }
0x2: {  	[smem:$0x3F9E] =	sst lr;
	_ =	strace $0xD0000000  }
0x3: {  	_ = 	snop  }
0x4: {  	_ = 	snop  }
0x5: {  	_ = 	snop  }
0x6: {  	_ = 	snop  }
0x7: {  	_ = 	snop  }
__scs_overlays_trampoline_lowered:
0x8: {  	[smem:$0x3FAD] =	sst s0  }
0x9: {  	[smem:$0x3FAE] =	sst s1  }
0xa: {  	[smem:$0x3FAF] =	sst s2  }
0xb: {  	[smem:$0x3FB0] =	sst s3  }
0xc: {  	[smem:$0x3FB1] =	sst s4  }
0xd: {  	[smem:$0x3FB2] =	sst s5  }
0xe: {  	[smem:$0x3FB3] =	sst s6  }
0xf: {  	[smem:$0x3FB4] =	sst s7  }
0x10: {  	[smem:$0x3FB5] =	sst s8  }
0x11: {  	[smem:$0x3FB6] =	sst s9;
	s0 =	simm.s32 @!p0 $0x0  }
0x12: {  	s1 =	sld [smem:$0x3F9C];
	s0 =	simm.s32 @p0 $0x1  }
0x13: {  	[smem:$0x3FB7] =	sst s0;
	s0 =	simm.s32 @!p1 $0x0  }
0x14: {  	s2 =	sld [smem:$0x3F9B];
	s0 =	simm.s32 @p1 $0x1  }
0x15: {  	[smem:$0x3FB8] =	sst s0;
	s0 =	simm.s32 @!p2 $0x0  }
0x16: {  	s3 =	sld [smem:$0x3FDB];
	s0 =	simm.s32 @p2 $0x1  }
0x17: {  	s4 =	simm.s32 $0x1BF5;
	[smem:$0x3FBA] =	sst s0  }
0x18: {  	s0 =	sld [smem:$0x3F9D];
	_ =	swait.ge [sflag:s4], $0x0  }
0x19: {  	s7 =	sld [smem:$0x3F9E]  }
0x1a: {  	s8 =	sadd.s32 $0xFFFFE003, lr  }
0x1b: {  	s9 =	sadd.s32 $0xFFFFFEF7, lr;
	s5 =	simm.s32 $0xFFFFFFFF;
	p2 =	slt.u32 s8, $0xFFFFF086  }
0x1c: {  	p1 =	slt.u32 s9, $0xF7A;
	s5 =	simm.s32 @!p2 $0x0  }
0x1d: {  	s5 =	simm.s32 @p1 $0x1;
	p0 =	seq.s32 s7, s2  }
0x1e: {  	s7 =	smul.u32 @!p0 $0xF7A, s2;
	p2 =	seq.s32 @!p0 s5, $0x0  }
0x1f: {  	s9 =	smul.u32 $0xF7A, s1;
	s8 =	simm.s32 @!p0 $0x1BF5;
	p2 =	por !p2, p0  }
0x20: {  	[sflag:s8] =	ssyncset.s32 @!p0 $0xFFFFF086;
	s6 =	sadd.s32 @!p0 s3, s7;
	s7 =	simm.s32 @!p0 $0x108  }
0x21: {  	s3 =	sadd.s32 s3, s9;
	s6 =	sadd.s32 @!p0 $0x88, s6;
	s7 =	simm.s32 @p2 $0x1082  }
0x22: {  	[simem:s7], [sflag:s8] =	dma.local @!p0 [hbm:s6], $0xF7A  }
0x23: {  	s9 =	sor.u32 $0xD0000000, s2;
	s6 =	simm.s32 $0x108;
	_ =	swait.ge @!p0 [sflag:s8], $0x0  }
0x24: {  	s3 =	sadd.s32 $0x88, s3;
	s6 =	simm.s32 @!p1 $0x1082;
	[sflag:s4] =	ssyncset.s32 $0xFFFFF086  }
0x25: {  	[simem:s6], [sflag:s4] =	dma.local [hbm:s3], $0xF7A  }
0x26: {  	[smem:$0x3F9E] =	sst s1;
	(tag) =	ssettag s2;
	_ =	strace s9  }
0x27: {  	s1 =	sld [smem:$0x3FAE]  }
0x28: {  	s2 =	sld [smem:$0x3FAF]  }
0x29: {  	s4 =	sld [smem:$0x3FB1]  }
0x2a: {  	p0 =	seq.s32 s5, $0x0;
	s5 =	sld [smem:$0x3FB2]  }
0x2b: {  	s6 =	sld [smem:$0x3FB3]  }
0x2c: {  	s7 =	sld [smem:$0x3FB4]  }
0x2d: {  	s3 =	simm.s32 $0x108;
	s8 =	sld [smem:$0x3FB5]  }
0x2e: {  	s3 =	simm.s32 @!p0 $0x1082;
	s9 =	sld [smem:$0x3FB6]  }
0x2f: {  	lr =	sadd.s32 s0, s3;
	s0 =	sld [smem:$0x3FAD]  }
0x30: {  	s3 =	sld [smem:$0x3FB0]  }
0x31: {  	[smem:$0x3FB9] =	sst s10  }
0x32: {  	s10 =	sld [smem:$0x3FB7];
	_ =	sdelay $0x3  }
0x33: {  	p0 =	seq.s32 s10, $0x1;
	s10 =	sld [smem:$0x3FB9];
	_ =	sdelay $0x3  }
0x34: {  	[smem:$0x3FB9] =	sst s10  }
0x35: {  	s10 =	sld [smem:$0x3FB8];
	_ =	sdelay $0x3  }
0x36: {  	p1 =	seq.s32 s10, $0x1;
	s10 =	sld [smem:$0x3FB9];
	_ =	sdelay $0x3  }
0x37: {  	[smem:$0x3FB9] =	sst s10  }
0x38: {  	s10 =	sld [smem:$0x3FBA]  }
0x39: {  	_ = 	snop;
	(pc) =	sbr.ind lr, $3  }
0x3a: {  	_ = 	snop  }
0x3b: {  	_ = 	snop  }
0x3c: {  	p2 =	seq.s32 s10, $0x1;
	s10 =	sld [smem:$0x3FB9]  }
0x3d: {  	_ =	shalt  }
0x3e: {  	_ =	shalt  }
0x3f: {  	_ =	shalt  }
0x40: {  	_ =	shalt  }
0x41: {  	_ =	shalt  }
0x42: {  	_ =	shalt  }
0x43: {  	_ =	shalt  }
0x44: {  	_ =	shalt  }
0x45: {  	_ =	shalt  }
0x46: {  	_ =	shalt  }
0x47: {  	_ =	shalt  }
0x48: {  	_ =	shalt  }
0x49: {  	_ =	shalt  }
0x4a: {  	_ =	shalt  }
0x4b: {  	_ =	shalt  }
0x4c: {  	_ =	shalt  }
0x4d: {  	_ =	shalt  }
0x4e: {  	_ =	shalt  }
0x4f: {  	_ =	shalt  }
0x50: {  	_ =	shalt  }
0x51: {  	_ =	shalt  }
0x52: {  	_ =	shalt  }
0x53: {  	_ =	shalt  }
0x54: {  	_ =	shalt  }
0x55: {  	_ =	shalt  }
0x56: {  	_ =	shalt  }
0x57: {  	_ =	shalt  }
0x58: {  	_ =	shalt  }
0x59: {  	_ =	shalt  }
0x5a: {  	_ =	shalt  }
0x5b: {  	_ =	shalt  }
0x5c: {  	_ =	shalt  }
0x5d: {  	_ =	shalt  }
0x5e: {  	_ =	shalt  }
0x5f: {  	_ =	shalt  }
0x60: {  	_ =	shalt  }
0x61: {  	_ =	shalt  }
0x62: {  	_ =	shalt  }
0x63: {  	_ =	shalt  }
0x64: {  	_ =	shalt  }
0x65: {  	_ =	shalt  }
0x66: {  	_ =	shalt  }
0x67: {  	_ =	shalt  }
0x68: {  	_ =	shalt  }
0x69: {  	_ =	shalt  }
0x6a: {  	_ =	shalt  }
0x6b: {  	_ =	shalt  }
0x6c: {  	_ =	shalt  }
0x6d: {  	_ =	shalt  }
0x6e: {  	_ =	shalt  }
0x6f: {  	_ =	shalt  }
0x70: {  	_ =	shalt  }
0x71: {  	_ =	shalt  }
0x72: {  	_ =	shalt  }
0x73: {  	_ =	shalt  }
0x74: {  	_ =	shalt  }
0x75: {  	_ =	shalt  }
0x76: {  	_ =	shalt  }
0x77: {  	_ =	shalt  }
0x78: {  	_ =	shalt  }
0x79: {  	_ =	shalt  }
0x7a: {  	_ =	shalt  }
0x7b: {  	_ =	shalt  }
0x7c: {  	_ =	shalt  }
0x7d: {  	_ =	shalt  }
0x7e: {  	_ =	shalt  }
0x7f: {  	_ =	shalt  }
0x80: {  	_ =	shalt  }
0x81: {  	_ =	shalt  }
0x82: {  	_ =	shalt  }
0x83: {  	_ =	shalt  }
0x84: {  	_ =	shalt  }
0x85: {  	_ =	shalt  }
0x86: {  	_ =	shalt  }
0x87: {  	_ =	shalt  }
.Lfunc_end0:
.L_simem_size_0:
called_computation.2_lowered:
.L_overlay_start_0:
0x88: {  	s2 =	sld [smem:$0x3FD9]  }
0x89: {  	s3 =	sld [smem:$0x3FFE];
	_ =	sdelay $0x1  }
0x8a: {  	s1 =	srdreg.scid  }
0x8b: {  	s0 =	sand.u32 $0x1, s1  }
0x8c: {  	s16 =	sshll.u32 s0, $0xA;
	s2 =	sadd.s32 s3, s2  }
0x8d: {  	s2 =	sadd.s32 s2, s16  }
0x8e: {  	[smem:$0x3FC5] =	sst s2  }
0x8f: {  	_ = 	snop  }
0x90: {  	(tm) =	ssettm $0x1  }
0x91: {  	s17 =	sld [smem:$0x3FFB];
	_ =	sdelay $0x3  }
0x92: {  	_ =	strace s17  }
0x93: {  	s2 =	sld [smem:$0x3FFC];
	_ =	sdelay $0x3  }
0x94: {  	_ =	strace s2  }
0x95: {  	s2 =	sld [smem:$0x3FFD];
	_ =	sdelay $0x3  }
0x96: {  	_ =	strace s2  }
0x97: {  	_ =	strace $0x8FFFFFFF  }
0x98: {  	s18 =	sld [smem:$0x3FDB];
	_ =	sdelay $0x1  }
0x99: {  	s19 =	simm.s32 $_scs_section_size  }
0x9a: {  	s4 =	simm.s32 $_size__tile_overlayer_lowered;
	s5 =	simm.s32 $_tile_overlayer_lowered  }
0x9b: {  	s22 =	simm.s32 $0x1BFF;
	s21 =	sshll.u32 s5, $0x1;
	s2 =	sadd.s32 s19, s18  }
0x9c: {  	s6 =	simm.s32 $0x0;
	s20 =	sshll.u32 s4, $0x1;
	s4 =	sadd.s32 s21, s2  }
0x9d: {  	[timem:s6], [sflag:s22] =	dma.local [hbm:s4], s20  }
0x9e: {  	_ =	swait.ge [sflag:s22], s20  }
0x9f: {  	s3 =	ssub.s32 $0x0, s20;
	[sflag:s22] =	ssyncset.done $0x0  }
0xa0: {  	[sflag:s22] =	ssyncadd.s32 s3;
	_ =	sdelay $0x1  }
0xa1: {  	s23 =	simm.s32 $0x1B8B  }
0xa2: {  	_ =	swait.ge [sflag:s23], $0x1  }
0xa3: {  	[sflag:s23] =	ssyncset.done $0x0  }
0xa4: {  	s25 =	simm.s32 $0x1B8E;
	s24 =	sld [smem:$0x3FFE];
	[sflag:s23] =	ssyncadd.s32 $0xFFFFFFFF  }
0xa5: {  	s26 =	simm.s32 $execute0_lowered;
	[smem:$0x3FD2] =	sst s25  }
0xa6: {  	s4 =	sshll.u32 s26, $0x1;
	_ =	strace $0x80000046;
	[dreg:$0x1] =	wrdreg $0xFFFFFFFF  }
0xa7: {  	s28 =	simm.s32 $_size_execute0_lowered;
	s2 =	sadd.s32 s2, s4;
	[dreg:$0x0] =	wrdreg $0x0  }
0xa8: {  	s4 =	sshll.u32 s28, $0x1;
	[dreg:$0x2] =	wrdreg s2  }
0xa9: {  	[dreg:$0x3] =	wrdreg s4  }
0xaa: {  	[dreg:$0x4] =	wrdreg $0xC0  }
0xab: {  	_ =	task [dreg:s6], $0x5FFFF  }
0xac: {  	[dreg:$0x1] =	wrdreg $0xFFFFFFFF  }
0xad: {  	[dreg:$0x0] =	wrdreg $0x60  }
0xae: {  	[dreg:$0x2] =	wrdreg s24  }
0xaf: {  	[dreg:$0x3] =	wrdreg $0x9000  }
0xb0: {  	[dreg:$0x4] =	wrdreg $0xB  }
0xb1: {  	_ =	task.clear_ibuf [dreg:s6], $0x5FFFF;
	_ =	strace $0x90000046  }
0xb2: {  	s29 =	simm.s32 $0xB;
	_ =	strace $0x80000048  }
0xb3: {  	_ =	swait.ge [sflag:s29], $0x1  }
0xb4: {  	[sflag:s29] =	ssyncadd.s32 $0xFFFFFFFF  }
0xb5: {  	_ =	strace $0x90000048  }
0xb6: {  	_ =	sfence  }
0xb7: {  	s30 =	sld [smem:$0x0];
	_ =	sdelay $0x2  }
0xb8: {  	s31 =	sshll.u32 s1, $0xD;
	s1 =	sshrl.u32 s1, $0x2  }
0xb9: {  	s3 =	sand.u32 $0x4000, s31;
	s1 =	sadd.s32 s1, s30  }
0xba: {  	s0 =	sor.u32 s3, s0;
	s1 =	sshll.u32 s1, $0x11  }
0xbb: {  	s0 =	sor.u32 s1, s0  }
0xbc: {  	s0 =	sadd.s32 $0x8F2B, s0  }
0xbd: {  	[sflag:s0] =	ssyncadd.remote.s32 $0x1  }
0xbe: {  	_ =	sfence.sel $0xFFFF  }
0xbf: {  	[dreg:$0x0] =	wrdreg $0xFFFFFFFF;
	(pc) =	sbr.abs _section_cstart, $3  }
0xc0: {  	[dreg:$0x1] =	wrdreg $0xFFFFFFFF  }
0xc1: {  	_ =	task.clear_ibuf [dreg:s6], $0x2FFFF;
	_ =	strace $0x9FFFFFFF  }
0xc2: {  	(tm) =	ssettm $0x7FFFFFFF  }
0xc3: {  	_ =	shalt  }
tec
execute0_lowered:
.L_overlay_start_1:
0x0: {  	(tag) =	ssettag $0x1  }
0x1: {  	s5 =	rddreg [dreg:$0x0]  }
0x2: {  	s2 =	rddreg [dreg:$0x1]  }
0x3: {  	s0 =	rddreg [dreg:$0x2]  }
0x4: {  	s3 =	simm.s32 $0x0;
	s1 =	stileid.u32;
	s4 =	srdreg.scid  }
0x5: {  	s16 =	simm.s32 $0x500;
	s17 =	simm.s32 $0x1;
	s18 =	simm.s32 $0x80  }
0x6: {  	s20 =	simm.s32 $0x480;
	s21 =	simm.s32 $0x10;
	[smem:$0x7FF] =	sst s3  }
0x7: {  	s6 =	sand.u32 $0x3, s1;
	s7 =	sand.u32 $0x1, s4;
	s4 =	sadd.s32 $0x1E00, s5  }
0x8: {  	s10 =	sshrl.u32 s1, $0x2;
	s31 =	sshll.u32 s1, $0xD;
	_ =	strace $0x80000047  }
0x9: {  	s8 =	sshll.u32 s6, $0xD;
	s9 =	ssub.s32 $0x2, s7;
	s30 =	sshll.u32 s7, $0x2  }
0xa: {  	s6 =	smul.u32 $0x12000, s6;
	s19 =	sshll.u32 s10, $0xF;
	s8 =	sadd.s32 s8, s5  }
0xb: {  	s29 =	sshrl.u32 s9, $0x1;
	s7 =	sor.u32 s10, s30;
	s5 =	sadd.s32 s31, s2  }
0xc: {  	v0 =	vmov s19;
	s19 =	simm.s32 $0x400;
	s9 =	ssub.s32 s9, s29;
	s11 =	sshll.u32 s7, $0x7  }
0xd: {  	s7 =	sshll.u32 s7, $0x4;
	s10 =	sadd.s32 $0x800, s5;
	s12 =	sadd.s32 $0x1000, s5  }
0xe: {  	s13 =	sadd.s32 $0x1400, s5;
	s14 =	sadd.s32 $0x1800, s5;
	s15 =	sadd.s32 $0x1C00, s5  }
0xf: {  	s6 =	sor.u32 s11, s6;
	s7 =	sadd.s32 s7, s8;
	s8 =	smax.u32 s9, $0x1  }
0x10: {  	v1 =	vimm.f32 $0.0e+00;
	v2 =	vimm.f32 $1.000000000e+00;
	s9 =	sadd.s32 $0x400, s5;
	s11 =	sadd.s32 $0xC00, s5;
	s7 =	sadd.s32 $0xAE00, s7  }
.LBB2_1:
0x11: {  	s22 =	simm.s32 $0x40;
	s23 =	simm.s32 $0x0  }
.LBB2_2:
0x12: {  	p0 =	sne.s32 s22, $0xFC0;
	[tilespmem:s23+$0x500] =	vst v1;
	s23 =	smov.u32 s22;
	s22 =	sadd.s32 $0x40, s22  }
.Ltmp0:
0x13: {  	(pc) =	sbr.rel @p0 .LBB2_2-.Ltmp0, $2  }
0x14: {  	_ =	sdelay $0x2  }
0x15: {  	s23 =	sshra.s32 s23, $0x2  }
0x16: {  	[tilespmem:s23+$0x500] =	vst v1  }
0x17: {  	[spmem:s5] =	stream.linear.scatter [tilespmem:s16], [sflag:$0x1], $0x400, $0x38;
	[tilespmem:$0x2900] =	vst v63  }
0x18: {  	_ =	swait.ge [sflag:s17], $0x400  }
0x19: {  	[sflag:s17] =	ssyncset.done $0x0  }
0x1a: {  	[sflag:s17] =	ssyncadd.s32 $0xFFFFFC00  }
0x1b: {  	[spmem:s9] =	stream.linear.scatter [tilespmem:s16], [sflag:$0x1], $0x400, $0x38;
	[tilespmem:$0x2900] =	vst v63  }
0x1c: {  	_ =	swait.ge [sflag:s17], $0x400  }
0x1d: {  	[sflag:s17] =	ssyncset.done $0x0  }
0x1e: {  	[sflag:s17] =	ssyncadd.s32 $0xFFFFFC00  }
0x1f: {  	[spmem:s10] =	stream.linear.scatter [tilespmem:s16], [sflag:$0x1], $0x400, $0x38;
	[tilespmem:$0x2900] =	vst v63  }
0x20: {  	_ =	swait.ge [sflag:s17], $0x400  }
0x21: {  	[sflag:s17] =	ssyncset.done $0x0  }
0x22: {  	[sflag:s17] =	ssyncadd.s32 $0xFFFFFC00  }
0x23: {  	[spmem:s11] =	stream.linear.scatter [tilespmem:s16], [sflag:$0x1], $0x400, $0x38;
	[tilespmem:$0x2900] =	vst v63  }
0x24: {  	_ =	swait.ge [sflag:s17], $0x400  }
0x25: {  	[sflag:s17] =	ssyncset.done $0x0  }
0x26: {  	[sflag:s17] =	ssyncadd.s32 $0xFFFFFC00  }
0x27: {  	[spmem:s12] =	stream.linear.scatter [tilespmem:s16], [sflag:$0x1], $0x400, $0x38;
	[tilespmem:$0x2900] =	vst v63  }
0x28: {  	_ =	swait.ge [sflag:s17], $0x400  }
0x29: {  	[sflag:s17] =	ssyncset.done $0x0  }
0x2a: {  	[sflag:s17] =	ssyncadd.s32 $0xFFFFFC00  }
0x2b: {  	[spmem:s13] =	stream.linear.scatter [tilespmem:s16], [sflag:$0x1], $0x400, $0x38;
	[tilespmem:$0x2900] =	vst v63  }
0x2c: {  	_ =	swait.ge [sflag:s17], $0x400  }
0x2d: {  	[sflag:s17] =	ssyncset.done $0x0  }
0x2e: {  	[sflag:s17] =	ssyncadd.s32 $0xFFFFFC00  }
0x2f: {  	[spmem:s14] =	stream.linear.scatter [tilespmem:s16], [sflag:$0x1], $0x400, $0x38;
	[tilespmem:$0x2900] =	vst v63  }
0x30: {  	_ =	swait.ge [sflag:s17], $0x400  }
0x31: {  	[sflag:s17] =	ssyncset.done $0x0  }
0x32: {  	[sflag:s17] =	ssyncadd.s32 $0xFFFFFC00  }
0x33: {  	[spmem:s15] =	stream.linear.scatter [tilespmem:s16], [sflag:$0x1], $0x400, $0x38;
	[tilespmem:$0x2900] =	vst v63  }
0x34: {  	_ =	swait.ge [sflag:s17], $0x400  }
0x35: {  	[sflag:s17] =	ssyncset.done $0x0  }
0x36: {  	[sflag:s17] =	ssyncadd.s32 $0xFFFFFC00  }
0x37: {  	[tilespmem:$0x480] =	vst v2  }
0x38: {  	[tilespmem:$0x490] =	vst v2  }
0x39: {  	[tilespmem:$0x4A0] =	vst v2  }
0x3a: {  	[tilespmem:$0x4B0] =	vst v2  }
0x3b: {  	[tilespmem:$0x4C0] =	vst v2  }
0x3c: {  	[tilespmem:$0x4D0] =	vst v2  }
0x3d: {  	[tilespmem:$0x4E0] =	vst v2  }
0x3e: {  	[tilespmem:$0x4F0] =	vst v2  }
0x3f: {  	s22 =	simm.s32 $0x0;
	s23 =	simm.s32 $0x0;
	[bflag:$0x0] =	sbarrier.arrive $0xFFFF  }
.LBB2_4:
0x40: {  	s24 =	sshll.u32 s23, $0xD  }
0x41: {  	s24 =	sadd.s32 s6, s24  }
0x42: {  	s24 =	sshrl.u32 s24, $0x3  }
0x43: {  	s24 =	sadd.s32 s4, s24  }
0x44: {  	[tilespmem:s22], [sflag:$0x1] =	stream.strided.gather [hbm4b:s24+s18], $0x400, s19, s18, $0x38;
	[tilespmem:$0x2900] =	vst v63  }
0x45: {  	_ =	swait.ge [sflag:s17], $0x400  }
0x46: {  	[sflag:s17] =	ssyncset.done $0x0  }
0x47: {  	s31 =	simm.s32 $0x0;
	[sflag:s17] =	ssyncadd.s32 $0xFFFFFC00  }
0x48: {  	v3 =	vld [tilespmem:s31+$0x0];
	_ =	sdelay $0x4  }
0x49: {  	v3 =	vshrl.u32 v3, $0x10  }
0x4a: {  	v3 =	vadd.s32 v0, v3  }
0x4b: {  	[tilespmem:$0x400] =	vst v3  }
0x4c: {  	v3 =	vld [tilespmem:s31+$0x10];
	_ =	sdelay $0x4  }
0x4d: {  	v3 =	vshrl.u32 v3, $0x10  }
0x4e: {  	v3 =	vadd.s32 v0, v3  }
0x4f: {  	[tilespmem:$0x410] =	vst v3  }
0x50: {  	v3 =	vld [tilespmem:s31+$0x20];
	_ =	sdelay $0x4  }
0x51: {  	v3 =	vshrl.u32 v3, $0x10  }
0x52: {  	v3 =	vadd.s32 v0, v3  }
0x53: {  	[tilespmem:$0x420] =	vst v3  }
0x54: {  	v3 =	vld [tilespmem:s31+$0x30];
	_ =	sdelay $0x4  }
0x55: {  	v3 =	vshrl.u32 v3, $0x10  }
0x56: {  	v3 =	vadd.s32 v0, v3  }
0x57: {  	[tilespmem:$0x430] =	vst v3  }
0x58: {  	v3 =	vld [tilespmem:s31+$0x40];
	_ =	sdelay $0x4  }
0x59: {  	v3 =	vshrl.u32 v3, $0x10  }
0x5a: {  	v3 =	vadd.s32 v0, v3  }
0x5b: {  	[tilespmem:$0x440] =	vst v3  }
0x5c: {  	v3 =	vld [tilespmem:s31+$0x50];
	_ =	sdelay $0x4  }
0x5d: {  	v3 =	vshrl.u32 v3, $0x10  }
0x5e: {  	v3 =	vadd.s32 v0, v3  }
0x5f: {  	[tilespmem:$0x450] =	vst v3  }
0x60: {  	v3 =	vld [tilespmem:s31+$0x60];
	_ =	sdelay $0x4  }
0x61: {  	v3 =	vshrl.u32 v3, $0x10  }
0x62: {  	v3 =	vadd.s32 v0, v3  }
0x63: {  	[tilespmem:$0x460] =	vst v3  }
0x64: {  	v3 =	vld [tilespmem:s31+$0x70];
	_ =	sdelay $0x4  }
0x65: {  	v3 =	vshrl.u32 v3, $0x10  }
0x66: {  	v3 =	vadd.s32 v0, v3  }
0x67: {  	[tilespmem:$0x470] =	vst v3  }
0x68: {  	[spmem:s2] =	stream.indirect.scatter.add.f32 [tilespmem:s20], [sflag:$0x1], $0x1, s19, s18, $0xb8;
	[tilespmem:$0x2900] =	vst v63  }
0x69: {  	_ =	swait.ge [sflag:s17], $0x80  }
0x6a: {  	s28 =	simm.s32 $0x400;
	s24 =	simm.s32 $0x200;
	[sflag:s17] =	ssyncset.done $0x0  }
.LBB2_5:
0x6b: {  	s26 =	sshra.s32 s24, $0x2  }
0x6c: {  	[sflag:s17] =	ssyncadd.s32 $0xFFFFFF80;
	s24 =	smov.u32 s28;
	s25 =	sadd.s32 $0x200, s28  }
0x6d: {  	p0 =	sne.s32 s28, $0xE00;
	v3 =	vld [tilespmem:s26+$0x0];
	_ =	sdelay $0x4  }
0x6e: {  	v3 =	vshrl.u32 v3, $0x10  }
0x6f: {  	v3 =	vadd.s32 v0, v3  }
0x70: {  	[tilespmem:$0x400] =	vst v3  }
0x71: {  	v3 =	vld [tilespmem:s26+$0x10];
	_ =	sdelay $0x4  }
0x72: {  	v3 =	vshrl.u32 v3, $0x10  }
0x73: {  	v3 =	vadd.s32 v0, v3  }
0x74: {  	[tilespmem:$0x410] =	vst v3  }
0x75: {  	v3 =	vld [tilespmem:s26+$0x20];
	_ =	sdelay $0x4  }
0x76: {  	v3 =	vshrl.u32 v3, $0x10  }
0x77: {  	v3 =	vadd.s32 v0, v3  }
0x78: {  	[tilespmem:$0x420] =	vst v3  }
0x79: {  	v3 =	vld [tilespmem:s26+$0x30];
	_ =	sdelay $0x4  }
0x7a: {  	v3 =	vshrl.u32 v3, $0x10  }
0x7b: {  	v3 =	vadd.s32 v0, v3  }
0x7c: {  	[tilespmem:$0x430] =	vst v3  }
0x7d: {  	v3 =	vld [tilespmem:s26+$0x40];
	_ =	sdelay $0x4  }
0x7e: {  	v3 =	vshrl.u32 v3, $0x10  }
0x7f: {  	v3 =	vadd.s32 v0, v3  }
0x80: {  	[tilespmem:$0x440] =	vst v3  }
0x81: {  	v3 =	vld [tilespmem:s26+$0x50];
	_ =	sdelay $0x4  }
0x82: {  	v3 =	vshrl.u32 v3, $0x10  }
0x83: {  	v3 =	vadd.s32 v0, v3  }
0x84: {  	[tilespmem:$0x450] =	vst v3  }
0x85: {  	v3 =	vld [tilespmem:s26+$0x60];
	_ =	sdelay $0x4  }
0x86: {  	v3 =	vshrl.u32 v3, $0x10  }
0x87: {  	v3 =	vadd.s32 v0, v3  }
0x88: {  	[tilespmem:$0x460] =	vst v3  }
0x89: {  	v3 =	vld [tilespmem:s26+$0x70];
	_ =	sdelay $0x4  }
0x8a: {  	v3 =	vshrl.u32 v3, $0x10  }
.Ltmp1:
0x8b: {  	v3 =	vadd.s32 v0, v3;
	(pc) =	sbr.rel @p0 .LBB2_5-.Ltmp1, $4  }
0x8c: {  	[tilespmem:$0x470] =	vst v3  }
0x8d: {  	[spmem:s2] =	stream.indirect.scatter.add.f32 [tilespmem:s20], [sflag:$0x1], $0x1, s19, s18, $0xb8;
	[tilespmem:$0x2900] =	vst v63  }
0x8e: {  	_ =	swait.ge [sflag:s17], $0x80  }
0x8f: {  	s28 =	smov.u32 s25;
	[sflag:s17] =	ssyncset.done $0x0  }
0x90: {  	s24 =	sshra.s32 s24, $0x2;
	[sflag:s17] =	ssyncadd.s32 $0xFFFFFF80  }
0x91: {  	v3 =	vld [tilespmem:s24+$0x0];
	_ =	sdelay $0x4  }
0x92: {  	v3 =	vshrl.u32 v3, $0x10  }
0x93: {  	v3 =	vadd.s32 v0, v3  }
0x94: {  	[tilespmem:$0x400] =	vst v3  }
0x95: {  	v3 =	vld [tilespmem:s24+$0x10];
	_ =	sdelay $0x4  }
0x96: {  	v3 =	vshrl.u32 v3, $0x10  }
0x97: {  	v3 =	vadd.s32 v0, v3  }
0x98: {  	[tilespmem:$0x410] =	vst v3  }
0x99: {  	v3 =	vld [tilespmem:s24+$0x20];
	_ =	sdelay $0x4  }
0x9a: {  	v3 =	vshrl.u32 v3, $0x10  }
0x9b: {  	v3 =	vadd.s32 v0, v3  }
0x9c: {  	[tilespmem:$0x420] =	vst v3  }
0x9d: {  	v3 =	vld [tilespmem:s24+$0x30];
	_ =	sdelay $0x4  }
0x9e: {  	v3 =	vshrl.u32 v3, $0x10  }
0x9f: {  	v3 =	vadd.s32 v0, v3  }
0xa0: {  	[tilespmem:$0x430] =	vst v3  }
0xa1: {  	v3 =	vld [tilespmem:s24+$0x40];
	_ =	sdelay $0x4  }
0xa2: {  	v3 =	vshrl.u32 v3, $0x10  }
0xa3: {  	v3 =	vadd.s32 v0, v3  }
0xa4: {  	[tilespmem:$0x440] =	vst v3  }
0xa5: {  	v3 =	vld [tilespmem:s24+$0x50];
	_ =	sdelay $0x4  }
0xa6: {  	v3 =	vshrl.u32 v3, $0x10  }
0xa7: {  	v3 =	vadd.s32 v0, v3  }
0xa8: {  	[tilespmem:$0x450] =	vst v3  }
0xa9: {  	v3 =	vld [tilespmem:s24+$0x60];
	_ =	sdelay $0x4  }
0xaa: {  	v3 =	vshrl.u32 v3, $0x10  }
0xab: {  	v3 =	vadd.s32 v0, v3  }
0xac: {  	[tilespmem:$0x460] =	vst v3  }
0xad: {  	v3 =	vld [tilespmem:s24+$0x70];
	_ =	sdelay $0x4  }
0xae: {  	s23 =	sadd.s32 $0x1, s23;
	v3 =	vshrl.u32 v3, $0x10  }
0xaf: {  	p0 =	sne.s32 s23, $0x9;
	v3 =	vadd.s32 v0, v3  }
.Ltmp2:
0xb0: {  	[tilespmem:$0x470] =	vst v3;
	(pc) =	sbr.rel @p0 .LBB2_4-.Ltmp2, $4  }
0xb1: {  	[spmem:s2] =	stream.indirect.scatter.add.f32 [tilespmem:s20], [sflag:$0x1], $0x1, s19, s18, $0xb8;
	[tilespmem:$0x2900] =	vst v63  }
0xb2: {  	_ =	swait.ge [sflag:s17], $0x80  }
0xb3: {  	[sflag:s17] =	ssyncset.done $0x0  }
0xb4: {  	[sflag:s17] =	ssyncadd.s32 $0xFFFFFF80  }
0xb5: {  	s3 =	sadd.s32 $0x1, s3  }
0xb6: {  	s22 =	sshll.u32 s1, $0x6;
	[bflag:$0x0] =	sbarrier.arrive $0xFFFF;
	p0 =	sne.s32 s3, s8  }
.Ltmp3:
0xb7: {  	s23 =	sshrl.u32 s5, $0x3;
	s22 =	sor.u32 $0x1C01, s22;
	(pc) =	sbr.rel @p0 .LBB2_1-.Ltmp3, $4  }
0xb8: {  	[hbm:s7@s18], [sflag:s22] =	dma.strided [spmem:s23@s21], $0x400, s17, $0x10   }
0xb9: {  	_ =	swait.ge [sflag:s17], $0x400  }
0xba: {  	[sflag:s17] =	ssyncset.done $0x0  }
0xbb: {  	[sflag:s17] =	ssyncadd.s32 $0xFFFFFC00  }
0xbc: {  	_ =	sfence.sel $0x180000  }
0xbd: {  	[bflag:$0x0] =	sbarrier.arrive $0xFFFF  }
0xbe: {  	p0 =	sne.s32 s1, $0x0;
	_ =	strace $0x90000047  }
0xbf: {  	s0 =	sadd.s32 @!p0 $0x100000, s0;
	[bflag:$0x2] =	sbarrier.arrive $0xFFFF  }
0xc0: {  	[sflag:s0] =	ssyncadd.tile.s32 @!p0 $0x1;
	_ =	shalt  }
.Lfunc_end2:
_tile_overlayer_lowered:
.L_overlay_start_2:
0xc1: {  	(tag) =	ssettag $0x2  }
0xc2: {  	s0 =	rddreg [dreg:$0x0];
	s2 =	stileid.u32  }
0xc3: {  	s1 =	rddreg [dreg:$0x1];
	p0 =	sne.s32 s2, $0x0  }
0xc4: {  	s3 =	rddreg [dreg:$0x2];
	[bflag:$0x3] =	sbarrier.arrive $0xFFFF;
	s2 =	simm.s32 @!p0 $0x1C01  }
0xc5: {  	[timem:s3], [sflag:s2] =	dma.local @!p0 [hbm:s0], s1  }
0xc6: {  	s0 =	simm.s32 @!p0 $0x1  }
0xc7: {  	_ =	swait.ge @!p0 [sflag:s0], s1  }
0xc8: {  	s1 =	ssub.s32 @!p0 $0x0, s1;
	[sflag:s0] =	ssyncset.done @!p0 $0x0  }
0xc9: {  	[sflag:s0] =	ssyncadd.s32 @!p0 s1  }
0xca: {  	[bflag:$0x3] =	sbarrier.arrive $0xFFFF  }
0xcb: {  	_ =	shalt  }

</sc_bundles>
